<compile_context>
chip_gen: v7x
topology: tpu7x:2x2x1
jax: 0.10.2.dev20260603
libtpu: 0.0.44.dev20260713+nightly
codegen_flags: <defaults>
</compile_context>

<pallas_src>
import functools

import jax
import jax.numpy as jnp
from jax import lax
from jax.experimental import pallas as pl
from jax.experimental.pallas import tpu as pltpu
from jax.experimental.pallas import tpu_sc as plsc

N = 50000
M = 25000
K = 16
CIN = 128

P = 256
M_PAD = 25600
NBLK = M_PAD // P
E = K * M_PAD
CH = 200


def _lk(x):
    return jnp.where(x >= 0, x, 0.1 * x)



def _sc_gather(feats, xyz128, idxf):
    info = plsc.get_sparse_core_info()
    nw = info.num_cores * info.num_subcores
    b_per_w = E // nw
    n_chunks = b_per_w // CH
    assert b_per_w % CH == 0 and E % nw == 0
    mesh = plsc.VectorSubcoreMesh(core_axis_name="c", subcore_axis_name="s")

    @functools.partial(
        pl.kernel, mesh=mesh,
        out_type=(
            jax.ShapeDtypeStruct((E, CIN), jnp.float32),
            jax.ShapeDtypeStruct((E, CIN), jnp.float32),
        ),
        scratch_types=[
            pltpu.VMEM((CH,), jnp.int32),
            pltpu.VMEM((CH,), jnp.int32),
            pltpu.VMEM((CH, CIN), jnp.float32),
            pltpu.VMEM((CH, CIN), jnp.float32),
            pltpu.VMEM((CH, CIN), jnp.float32),
            pltpu.VMEM((CH, CIN), jnp.float32),
            pltpu.SemaphoreType.DMA,
            pltpu.SemaphoreType.DMA,
        ],
    )
    def k(feats_hbm, xyz_hbm, idx_hbm, outf_hbm, outx_hbm, idx_v0, idx_v1,
          rows_f0, rows_f1, rows_x0, rows_x1, semf, semx):
        wid = lax.axis_index("s") * info.num_cores + lax.axis_index("c")
        base = wid * b_per_w

        def body(j, carry):
            off0 = base + (2 * j) * CH
            off1 = off0 + CH
            pltpu.sync_copy(idx_hbm.at[pl.ds(off0, CH)], idx_v0)
            hf0 = pltpu.async_copy(feats_hbm.at[idx_v0], rows_f0, semf)
            hx0 = pltpu.async_copy(xyz_hbm.at[idx_v0], rows_x0, semx)
            pltpu.sync_copy(idx_hbm.at[pl.ds(off1, CH)], idx_v1)
            hf1 = pltpu.async_copy(feats_hbm.at[idx_v1], rows_f1, semf)
            hx1 = pltpu.async_copy(xyz_hbm.at[idx_v1], rows_x1, semx)
            hf0.wait()
            pltpu.sync_copy(rows_f0, outf_hbm.at[pl.ds(off0, CH)])
            hx0.wait()
            pltpu.sync_copy(rows_x0, outx_hbm.at[pl.ds(off0, CH)])
            hf1.wait()
            pltpu.sync_copy(rows_f1, outf_hbm.at[pl.ds(off1, CH)])
            hx1.wait()
            pltpu.sync_copy(rows_x1, outx_hbm.at[pl.ds(off1, CH)])
            return carry

        lax.fori_loop(0, n_chunks // 2, body, 0)

    return k(feats, xyz128, idxf)



def _compute_body(g2_ref, g3_ref, sx_ref, wu1_ref, bu1_ref,
                  wpe1_ref, bpe1_ref, wpe2_ref, bpe2_ref, wwn1_ref,
                  bwn1_ref, wwn2_ref, bwn2_ref, wwn3_ref, bwn3_ref,
                  wl3_ref, blin_ref, wu2_ref, bu2_ref, out_ref, wni_ref):
    sx = sx_ref[...]

    mx = g2_ref[0]
    for k in range(1, K):
        mx = jnp.maximum(mx, g2_ref[k])

    g2f = g2_ref[...].reshape(K * P, CIN)
    g3f = g3_ref[...].reshape(K * P, CIN)[:, 0:16]
    sx_all = jnp.broadcast_to(sx[None], (K, P, 16)).reshape(K * P, 16)

    gf = jnp.dot(g2f, wu1_ref[...],
                 preferred_element_type=jnp.float32) + bu1_ref[...]
    loc = g3f - sx_all
    wni_ref[...] = loc.reshape(K, P, 16)
    pe = _lk(jnp.dot(loc, wpe1_ref[...],
                     preferred_element_type=jnp.float32) + bpe1_ref[...])
    pe = _lk(jnp.dot(pe, wpe2_ref[...],
                     preferred_element_type=jnp.float32) + bpe2_ref[...])
    nf_all = jnp.concatenate([gf, pe], axis=1)
    w1 = _lk(jnp.dot(loc, wwn1_ref[...],
                     preferred_element_type=jnp.float32) + bwn1_ref[...])
    w2 = jnp.dot(w1, wwn2_ref[...],
                 preferred_element_type=jnp.float32) + bwn2_ref[...]
    w3_all = _lk(jnp.dot(w2, wwn3_ref[...],
                         preferred_element_type=jnp.float32) + bwn3_ref[...])

    acc = None
    for w in range(16):
        t = (nf_all * w3_all[:, w:w + 1]).reshape(K, P, 64)
        s = t[0]
        for k in range(1, K):
            s = s + t[k]
        m = jnp.dot(s, wl3_ref[w],
                    preferred_element_type=jnp.float32)
        acc = m if acc is None else acc + m
    nf1 = _lk(acc + blin_ref[...])
    nf2 = jnp.dot(nf1, wu2_ref[...],
                  preferred_element_type=jnp.float32) + bu2_ref[...]
    out_ref[...] = _lk(nf2 + mx)


def _compute(g2r, g3r, sx16, wu1, bu1, wpe1p, bpe1, wpe2, bpe2,
             wwn1p, bwn1, wwn2, bwn2, wwn3, bwn3, wl3, blin, wu2, bu2):
    full = lambda a: pl.BlockSpec(a.shape, lambda i: (0,) * a.ndim)
    return pl.pallas_call(
        _compute_body,
        grid=(NBLK,),
        in_specs=[
            pl.BlockSpec((K, P, CIN), lambda i: (0, i, 0)),
            pl.BlockSpec((K, P, CIN), lambda i: (0, i, 0)),
            pl.BlockSpec((P, 16), lambda i: (i, 0)),
            full(wu1), full(bu1),
            full(wpe1p), full(bpe1), full(wpe2), full(bpe2),
            full(wwn1p), full(bwn1), full(wwn2), full(bwn2),
            full(wwn3), full(bwn3), full(wl3), full(blin),
            full(wu2), full(bu2),
        ],
        out_specs=[
            pl.BlockSpec((P, CIN), lambda i: (i, 0)),
            pl.BlockSpec((K, P, 16), lambda i: (0, i, 0)),
        ],
        out_shape=[
            jax.ShapeDtypeStruct((M_PAD, CIN), jnp.float32),
            jax.ShapeDtypeStruct((K, M_PAD, 16), jnp.float32),
        ],
    )(g2r, g3r, sx16, wu1, bu1, wpe1p, bpe1, wpe2, bpe2, wwn1p,
      bwn1, wwn2, bwn2, wwn3, bwn3, wl3, blin, wu2, bu2)


def kernel(dense_xyz, dense_feats, nei_inds, dense_xyz_norm, sparse_xyz,
           sparse_xyz_norm, W_u1, b_u1, W_pe1, b_pe1, W_pe2, b_pe2, W_wn1,
           b_wn1, W_wn2, b_wn2, W_wn3, b_wn3, W_lin, b_lin, W_u2, b_u2):
    df = dense_feats[0]
    xyz128 = jnp.pad(dense_xyz[0], ((0, 0), (0, 125)))

    neiT = jnp.pad(nei_inds[0].T, ((0, 0), (0, M_PAD - M)))
    idxf = neiT.reshape(E)
    gf128, gx128 = _sc_gather(df, xyz128, idxf)

    g2r = gf128.reshape(K, M_PAD, CIN)
    g3r = gx128.reshape(K, M_PAD, CIN)
    sx16 = jnp.pad(sparse_xyz[0], ((0, M_PAD - M), (0, 13)))

    wpe1p = jnp.pad(W_pe1, ((0, 13), (0, 0)))
    wwn1p = jnp.pad(W_wn1, ((0, 13), (0, 0)))
    wl3 = W_lin.reshape(64, 16, 64).transpose(1, 0, 2)

    out_f, wni16 = _compute(
        g2r, g3r, sx16, W_u1, b_u1.reshape(1, -1), wpe1p,
        b_pe1.reshape(1, -1), W_pe2, b_pe2.reshape(1, -1), wwn1p,
        b_wn1.reshape(1, -1), W_wn2, b_wn2.reshape(1, -1), W_wn3,
        b_wn3.reshape(1, -1), wl3, b_lin.reshape(1, -1), W_u2,
        b_u2.reshape(1, -1))

    out = out_f[:M][None]
    wni = wni16.transpose(1, 0, 2)[:M, :, :3][None]
    return out, wni

# --- scband reference (transcript-rebuilt; emitter-appended) ---
"""Pipeline reference for scband-point-conv-res-block-52905407152866 (READ-ONLY COPY).

The authoritative reference and input builder live on the scoring server;
editing this copy changes nothing except your own understanding.
"""

import jax, jax.numpy as jnp
import numpy as np

N = 50000
M = 25000
K = 16
CIN = 128

def _leaky(x):
    return jax.nn.leaky_relu(x, negative_slope=0.1)

def setup_inputs(seed: int = 0):
    key = jax.random.key(seed)
    ks = jax.random.split(key, 24)
    inp = {}
    inp["dense_xyz"] = jax.random.normal(ks[0], (1, N, 3), dtype=jnp.float32)
    inp["dense_feats"] = jax.random.normal(ks[1], (1, N, CIN), dtype=jnp.float32)
    inp["nei_inds"] = jax.random.randint(ks[2], (1, M, K), 0, N, dtype=jnp.int32)
    inp["dense_xyz_norm"] = jax.random.normal(ks[3], (1, N, 3), dtype=jnp.float32)
    inp["sparse_xyz"] = jax.random.normal(ks[4], (1, M, 3), dtype=jnp.float32)
    inp["sparse_xyz_norm"] = jax.random.normal(ks[5], (1, M, 3), dtype=jnp.float32)
    def p(k, shape):
        return jax.random.normal(k, shape, dtype=jnp.float32) * 0.05
    inp["W_u1"] = p(ks[6], (CIN, 32)); inp["b_u1"] = jnp.zeros((32,), jnp.float32)
    inp["W_pe1"] = p(ks[7], (3, 32)); inp["b_pe1"] = jnp.zeros((32,), jnp.float32)
    inp["W_pe2"] = p(ks[8], (32, 32)); inp["b_pe2"] = jnp.zeros((32,), jnp.float32)
    inp["W_wn1"] = p(ks[9], (3, 8)); inp["b_wn1"] = jnp.zeros((8,), jnp.float32)
    inp["W_wn2"] = p(ks[10], (8, 8)); inp["b_wn2"] = jnp.zeros((8,), jnp.float32)
    inp["W_wn3"] = p(ks[11], (8, 16)); inp["b_wn3"] = jnp.zeros((16,), jnp.float32)
    inp["W_lin"] = p(ks[12], ((32 + 32) * 16, 64)); inp["b_lin"] = jnp.zeros((64,), jnp.float32)
    inp["W_u2"] = p(ks[13], (64, CIN)); inp["b_u2"] = jnp.zeros((CIN,), jnp.float32)
    return inp

def reference(dense_xyz, dense_feats, nei_inds, dense_xyz_norm, sparse_xyz, sparse_xyz_norm, W_u1, b_u1, W_pe1, b_pe1, W_pe2, b_pe2, W_wn1, b_wn1, W_wn2, b_wn2, W_wn3, b_wn3, W_lin, b_lin, W_u2, b_u2):
    idx = nei_inds[0]
    gathered_xyz = jnp.take(dense_xyz[0], idx, axis=0)[None]
    localized = gathered_xyz - sparse_xyz[:, :, None, :]
    weightNetInput = localized
    feats_x = dense_feats @ W_u1 + b_u1
    gathered_feat = jnp.take(feats_x[0], idx, axis=0)[None]
    feat_pe = _leaky(_leaky(localized @ W_pe1 + b_pe1) @ W_pe2 + b_pe2)
    new_feat = jnp.concatenate([gathered_feat, feat_pe], axis=-1)
    w = _leaky(localized @ W_wn1 + b_wn1)
    w = w @ W_wn2 + b_wn2
    w = _leaky(w @ W_wn3 + b_wn3)
    nf = jnp.einsum('bmkc,bmkw->bmcw', new_feat, w).reshape(1, M, -1)
    nf = _leaky(nf @ W_lin + b_lin)
    nf = nf @ W_u2 + b_u2
    sparse_feats = jnp.max(jnp.take(dense_feats[0], idx, axis=0)[None], axis=2)
    out = _leaky(nf + sparse_feats)
    return out, weightNetInput

if __name__ == "__main__":
    import jax
    _d = setup_inputs()
    print(jax.jit(kernel)(*tuple(_d.values())))

</pallas_src>

<mosaic_0001>
#map = affine_map<(d0, d1) -> (0, 0)>
#map1 = affine_map<(d0, d1) -> (0)>
module attributes {stable_mosaic.version = 14 : i64} {
  func.func @k(%arg0: i32, %arg1: i32, %arg2: memref<50000x128xf32, #tpu.memory_space<hbm>>, %arg3: memref<50000x128xf32, #tpu.memory_space<hbm>>, %arg4: memref<409600xi32, #tpu.memory_space<hbm>>, %arg5: memref<409600x128xf32, #tpu.memory_space<hbm>>, %arg6: memref<409600x128xf32, #tpu.memory_space<hbm>>, %arg7: memref<200xi32, #tpu.memory_space<vmem>>, %arg8: memref<200xi32, #tpu.memory_space<vmem>>, %arg9: memref<200x128xf32, #tpu.memory_space<vmem>>, %arg10: memref<200x128xf32, #tpu.memory_space<vmem>>, %arg11: memref<200x128xf32, #tpu.memory_space<vmem>>, %arg12: memref<200x128xf32, #tpu.memory_space<vmem>>, %arg13: memref<!tpu.dma_semaphore, #tpu.memory_space<semaphore_mem>>, %arg14: memref<!tpu.dma_semaphore, #tpu.memory_space<semaphore_mem>>) attributes {dimension_semantics = [#tpu.dimension_semantics<core_parallel>, #tpu.dimension_semantics<subcore_parallel>], iteration_bounds = array<i64: 2, 16>, scalar_prefetch = 0 : i64, scratch_operands = 8 : i64, tpu.core_type = #tpu.core_type<sc_vector_subcore>, window_params = [{transform_indices = #map}, {transform_indices = #map}, {transform_indices = #map1}, {transform_indices = #map}, {transform_indices = #map}]} {
    %mul3A = arith.constant 2 : i32
    %mul3A_0 = arith.muli %arg1, %mul3A : i32
    %add3A = arith.addi %mul3A_0, %arg0 : i32
    %mul3A_1 = arith.constant 12800 : i32
    %mul3A_2 = arith.muli %add3A, %mul3A_1 : i32
    %scan3A = arith.constant 0 : i32
    %scan3A_3 = arith.constant 0 : i32
    %scan3A_4 = arith.constant 32 : i32
    %scan3A_5 = arith.addi %scan3A_3, %scan3A_4 : i32
    %scan3A_6 = arith.constant 1 : i32
    scf.for %scan3A_8 = %scan3A_3 to %scan3A_5 step %scan3A_6  : i32 {
      %mul3A_9 = arith.constant 2 : i32
      %mul3A_10 = arith.muli %mul3A_9, %scan3A_8 : i32
      %mul3A_11 = arith.constant 200 : i32
      %mul3A_12 = arith.muli %mul3A_10, %mul3A_11 : i32
      %add3A_13 = arith.addi %mul3A_2, %mul3A_12 : i32
      %add3A_14 = arith.constant 200 : i32
      %add3A_15 = arith.addi %add3A_13, %add3A_14 : i32
      "tpu.region"() ({
        %run_scoped3A = tpu.sem_alloc : memref<!tpu.dma_semaphore, #tpu.memory_space<semaphore_mem>>
        %dma_start3A_38 = tpu.memref_slice %arg4[%add3A_13] : memref<409600xi32, #tpu.memory_space<hbm>> -> memref<200xi32, #tpu.memory_space<hbm>>
        %dma_start3A_39 = tpu.memref_slice %arg4[%add3A_13] : memref<409600xi32, #tpu.memory_space<hbm>> -> memref<200xi32, #tpu.memory_space<hbm>>
        tpu.enqueue_dma source(%dma_start3A_39 : memref<200xi32, #tpu.memory_space<hbm>>) target(%arg7 : memref<200xi32, #tpu.memory_space<vmem>>) target_semaphore(%run_scoped3A : memref<!tpu.dma_semaphore, #tpu.memory_space<semaphore_mem>>)
        %dma_wait3A_40 = tpu.memref_slice %arg4[%add3A_13] : memref<409600xi32, #tpu.memory_space<hbm>> -> memref<200xi32, #tpu.memory_space<hbm>>
        %dma_wait3A_41 = tpu.memref_slice %arg4[%add3A_13] : memref<409600xi32, #tpu.memory_space<hbm>> -> memref<200xi32, #tpu.memory_space<hbm>>
        tpu.wait_dma2 semaphore(%run_scoped3A : memref<!tpu.dma_semaphore, #tpu.memory_space<semaphore_mem>>) src(%dma_wait3A_41 : memref<200xi32, #tpu.memory_space<hbm>>) dst(%arg7 : memref<200xi32, #tpu.memory_space<vmem>>)
        tpu.yield
      }) : () -> ()
      %dma_start3A = arith.constant 0 : i32
      %dma_start3A_16 = arith.constant 0 : i32
      %dma_start3A_17 = tpu.memref_slice %arg2[%dma_start3A, %dma_start3A_16] : memref<50000x128xf32, #tpu.memory_space<hbm>> -> memref<50000x128xf32, #tpu.memory_space<hbm>>
      tpu.enqueue_indirect_dma source(%dma_start3A_17 : memref<50000x128xf32, #tpu.memory_space<hbm>>) target(%arg9 : memref<200x128xf32, #tpu.memory_space<vmem>>) offsets(%arg7 : memref<200xi32, #tpu.memory_space<vmem>>) semaphore(%arg13 : memref<!tpu.dma_semaphore, #tpu.memory_space<semaphore_mem>>)
      %dma_start3A_18 = arith.constant 0 : i32
      %dma_start3A_19 = arith.constant 0 : i32
      %dma_start3A_20 = tpu.memref_slice %arg3[%dma_start3A_18, %dma_start3A_19] : memref<50000x128xf32, #tpu.memory_space<hbm>> -> memref<50000x128xf32, #tpu.memory_space<hbm>>
      tpu.enqueue_indirect_dma source(%dma_start3A_20 : memref<50000x128xf32, #tpu.memory_space<hbm>>) target(%arg11 : memref<200x128xf32, #tpu.memory_space<vmem>>) offsets(%arg7 : memref<200xi32, #tpu.memory_space<vmem>>) semaphore(%arg14 : memref<!tpu.dma_semaphore, #tpu.memory_space<semaphore_mem>>)
      "tpu.region"() ({
        %run_scoped3A = tpu.sem_alloc : memref<!tpu.dma_semaphore, #tpu.memory_space<semaphore_mem>>
        %dma_start3A_38 = tpu.memref_slice %arg4[%add3A_15] : memref<409600xi32, #tpu.memory_space<hbm>> -> memref<200xi32, #tpu.memory_space<hbm>>
        %dma_start3A_39 = tpu.memref_slice %arg4[%add3A_15] : memref<409600xi32, #tpu.memory_space<hbm>> -> memref<200xi32, #tpu.memory_space<hbm>>
        tpu.enqueue_dma source(%dma_start3A_39 : memref<200xi32, #tpu.memory_space<hbm>>) target(%arg8 : memref<200xi32, #tpu.memory_space<vmem>>) target_semaphore(%run_scoped3A : memref<!tpu.dma_semaphore, #tpu.memory_space<semaphore_mem>>)
        %dma_wait3A_40 = tpu.memref_slice %arg4[%add3A_15] : memref<409600xi32, #tpu.memory_space<hbm>> -> memref<200xi32, #tpu.memory_space<hbm>>
        %dma_wait3A_41 = tpu.memref_slice %arg4[%add3A_15] : memref<409600xi32, #tpu.memory_space<hbm>> -> memref<200xi32, #tpu.memory_space<hbm>>
        tpu.wait_dma2 semaphore(%run_scoped3A : memref<!tpu.dma_semaphore, #tpu.memory_space<semaphore_mem>>) src(%dma_wait3A_41 : memref<200xi32, #tpu.memory_space<hbm>>) dst(%arg8 : memref<200xi32, #tpu.memory_space<vmem>>)
        tpu.yield
      }) : () -> ()
      %dma_start3A_21 = arith.constant 0 : i32
      %dma_start3A_22 = arith.constant 0 : i32
      %dma_start3A_23 = tpu.memref_slice %arg2[%dma_start3A_21, %dma_start3A_22] : memref<50000x128xf32, #tpu.memory_space<hbm>> -> memref<50000x128xf32, #tpu.memory_space<hbm>>
      tpu.enqueue_indirect_dma source(%dma_start3A_23 : memref<50000x128xf32, #tpu.memory_space<hbm>>) target(%arg10 : memref<200x128xf32, #tpu.memory_space<vmem>>) offsets(%arg8 : memref<200xi32, #tpu.memory_space<vmem>>) semaphore(%arg13 : memref<!tpu.dma_semaphore, #tpu.memory_space<semaphore_mem>>)
      %dma_start3A_24 = arith.constant 0 : i32
      %dma_start3A_25 = arith.constant 0 : i32
      %dma_start3A_26 = tpu.memref_slice %arg3[%dma_start3A_24, %dma_start3A_25] : memref<50000x128xf32, #tpu.memory_space<hbm>> -> memref<50000x128xf32, #tpu.memory_space<hbm>>
      tpu.enqueue_indirect_dma source(%dma_start3A_26 : memref<50000x128xf32, #tpu.memory_space<hbm>>) target(%arg12 : memref<200x128xf32, #tpu.memory_space<vmem>>) offsets(%arg8 : memref<200xi32, #tpu.memory_space<vmem>>) semaphore(%arg14 : memref<!tpu.dma_semaphore, #tpu.memory_space<semaphore_mem>>)
      %dma_wait3A = arith.constant 0 : i32
      %dma_wait3A_27 = arith.constant 0 : i32
      %dma_wait3A_28 = tpu.memref_slice %arg2[%dma_wait3A, %dma_wait3A_27] : memref<50000x128xf32, #tpu.memory_space<hbm>> -> memref<50000x128xf32, #tpu.memory_space<hbm>>
      tpu.wait_indirect_dma semaphore(%arg13 : memref<!tpu.dma_semaphore, #tpu.memory_space<semaphore_mem>>) src(%dma_wait3A_28 : memref<50000x128xf32, #tpu.memory_space<hbm>>) dst(%arg9 : memref<200x128xf32, #tpu.memory_space<vmem>>)
      "tpu.region"() ({
        %run_scoped3A = tpu.sem_alloc : memref<!tpu.dma_semaphore, #tpu.memory_space<semaphore_mem>>
        %dma_start3A_38 = arith.constant 0 : i32
        %dma_start3A_39 = tpu.memref_slice %arg5[%add3A_13, %dma_start3A_38] : memref<409600x128xf32, #tpu.memory_space<hbm>> -> memref<200x128xf32, #tpu.memory_space<hbm>>
        %dma_start3A_40 = arith.constant 0 : i32
        %dma_start3A_41 = tpu.memref_slice %arg5[%add3A_13, %dma_start3A_40] : memref<409600x128xf32, #tpu.memory_space<hbm>> -> memref<200x128xf32, #tpu.memory_space<hbm>>
        tpu.enqueue_dma source(%arg9 : memref<200x128xf32, #tpu.memory_space<vmem>>) target(%dma_start3A_41 : memref<200x128xf32, #tpu.memory_space<hbm>>) target_semaphore(%run_scoped3A : memref<!tpu.dma_semaphore, #tpu.memory_space<semaphore_mem>>)
        %dma_wait3A_42 = arith.constant 0 : i32
        %dma_wait3A_43 = tpu.memref_slice %arg5[%add3A_13, %dma_wait3A_42] : memref<409600x128xf32, #tpu.memory_space<hbm>> -> memref<200x128xf32, #tpu.memory_space<hbm>>
        %dma_wait3A_44 = arith.constant 0 : i32
        %dma_wait3A_45 = tpu.memref_slice %arg5[%add3A_13, %dma_wait3A_44] : memref<409600x128xf32, #tpu.memory_space<hbm>> -> memref<200x128xf32, #tpu.memory_space<hbm>>
        tpu.wait_dma2 semaphore(%run_scoped3A : memref<!tpu.dma_semaphore, #tpu.memory_space<semaphore_mem>>) src(%arg9 : memref<200x128xf32, #tpu.memory_space<vmem>>) dst(%dma_wait3A_45 : memref<200x128xf32, #tpu.memory_space<hbm>>)
        tpu.yield
      }) : () -> ()
      %dma_wait3A_29 = arith.constant 0 : i32
      %dma_wait3A_30 = arith.constant 0 : i32
      %dma_wait3A_31 = tpu.memref_slice %arg3[%dma_wait3A_29, %dma_wait3A_30] : memref<50000x128xf32, #tpu.memory_space<hbm>> -> memref<50000x128xf32, #tpu.memory_space<hbm>>
      tpu.wait_indirect_dma semaphore(%arg14 : memref<!tpu.dma_semaphore, #tpu.memory_space<semaphore_mem>>) src(%dma_wait3A_31 : memref<50000x128xf32, #tpu.memory_space<hbm>>) dst(%arg11 : memref<200x128xf32, #tpu.memory_space<vmem>>)
      "tpu.region"() ({
        %run_scoped3A = tpu.sem_alloc : memref<!tpu.dma_semaphore, #tpu.memory_space<semaphore_mem>>
        %dma_start3A_38 = arith.constant 0 : i32
        %dma_start3A_39 = tpu.memref_slice %arg6[%add3A_13, %dma_start3A_38] : memref<409600x128xf32, #tpu.memory_space<hbm>> -> memref<200x128xf32, #tpu.memory_space<hbm>>
        %dma_start3A_40 = arith.constant 0 : i32
        %dma_start3A_41 = tpu.memref_slice %arg6[%add3A_13, %dma_start3A_40] : memref<409600x128xf32, #tpu.memory_space<hbm>> -> memref<200x128xf32, #tpu.memory_space<hbm>>
        tpu.enqueue_dma source(%arg11 : memref<200x128xf32, #tpu.memory_space<vmem>>) target(%dma_start3A_41 : memref<200x128xf32, #tpu.memory_space<hbm>>) target_semaphore(%run_scoped3A : memref<!tpu.dma_semaphore, #tpu.memory_space<semaphore_mem>>)
        %dma_wait3A_42 = arith.constant 0 : i32
        %dma_wait3A_43 = tpu.memref_slice %arg6[%add3A_13, %dma_wait3A_42] : memref<409600x128xf32, #tpu.memory_space<hbm>> -> memref<200x128xf32, #tpu.memory_space<hbm>>
        %dma_wait3A_44 = arith.constant 0 : i32
        %dma_wait3A_45 = tpu.memref_slice %arg6[%add3A_13, %dma_wait3A_44] : memref<409600x128xf32, #tpu.memory_space<hbm>> -> memref<200x128xf32, #tpu.memory_space<hbm>>
        tpu.wait_dma2 semaphore(%run_scoped3A : memref<!tpu.dma_semaphore, #tpu.memory_space<semaphore_mem>>) src(%arg11 : memref<200x128xf32, #tpu.memory_space<vmem>>) dst(%dma_wait3A_45 : memref<200x128xf32, #tpu.memory_space<hbm>>)
        tpu.yield
      }) : () -> ()
      %dma_wait3A_32 = arith.constant 0 : i32
      %dma_wait3A_33 = arith.constant 0 : i32
      %dma_wait3A_34 = tpu.memref_slice %arg2[%dma_wait3A_32, %dma_wait3A_33] : memref<50000x128xf32, #tpu.memory_space<hbm>> -> memref<50000x128xf32, #tpu.memory_space<hbm>>
      tpu.wait_indirect_dma semaphore(%arg13 : memref<!tpu.dma_semaphore, #tpu.memory_space<semaphore_mem>>) src(%dma_wait3A_34 : memref<50000x128xf32, #tpu.memory_space<hbm>>) dst(%arg10 : memref<200x128xf32, #tpu.memory_space<vmem>>)
      "tpu.region"() ({
        %run_scoped3A = tpu.sem_alloc : memref<!tpu.dma_semaphore, #tpu.memory_space<semaphore_mem>>
        %dma_start3A_38 = arith.constant 0 : i32
        %dma_start3A_39 = tpu.memref_slice %arg5[%add3A_15, %dma_start3A_38] : memref<409600x128xf32, #tpu.memory_space<hbm>> -> memref<200x128xf32, #tpu.memory_space<hbm>>
        %dma_start3A_40 = arith.constant 0 : i32
        %dma_start3A_41 = tpu.memref_slice %arg5[%add3A_15, %dma_start3A_40] : memref<409600x128xf32, #tpu.memory_space<hbm>> -> memref<200x128xf32, #tpu.memory_space<hbm>>
        tpu.enqueue_dma source(%arg10 : memref<200x128xf32, #tpu.memory_space<vmem>>) target(%dma_start3A_41 : memref<200x128xf32, #tpu.memory_space<hbm>>) target_semaphore(%run_scoped3A : memref<!tpu.dma_semaphore, #tpu.memory_space<semaphore_mem>>)
        %dma_wait3A_42 = arith.constant 0 : i32
        %dma_wait3A_43 = tpu.memref_slice %arg5[%add3A_15, %dma_wait3A_42] : memref<409600x128xf32, #tpu.memory_space<hbm>> -> memref<200x128xf32, #tpu.memory_space<hbm>>
        %dma_wait3A_44 = arith.constant 0 : i32
        %dma_wait3A_45 = tpu.memref_slice %arg5[%add3A_15, %dma_wait3A_44] : memref<409600x128xf32, #tpu.memory_space<hbm>> -> memref<200x128xf32, #tpu.memory_space<hbm>>
        tpu.wait_dma2 semaphore(%run_scoped3A : memref<!tpu.dma_semaphore, #tpu.memory_space<semaphore_mem>>) src(%arg10 : memref<200x128xf32, #tpu.memory_space<vmem>>) dst(%dma_wait3A_45 : memref<200x128xf32, #tpu.memory_space<hbm>>)
        tpu.yield
      }) : () -> ()
      %dma_wait3A_35 = arith.constant 0 : i32
      %dma_wait3A_36 = arith.constant 0 : i32
      %dma_wait3A_37 = tpu.memref_slice %arg3[%dma_wait3A_35, %dma_wait3A_36] : memref<50000x128xf32, #tpu.memory_space<hbm>> -> memref<50000x128xf32, #tpu.memory_space<hbm>>
      tpu.wait_indirect_dma semaphore(%arg14 : memref<!tpu.dma_semaphore, #tpu.memory_space<semaphore_mem>>) src(%dma_wait3A_37 : memref<50000x128xf32, #tpu.memory_space<hbm>>) dst(%arg12 : memref<200x128xf32, #tpu.memory_space<vmem>>)
      "tpu.region"() ({
        %run_scoped3A = tpu.sem_alloc : memref<!tpu.dma_semaphore, #tpu.memory_space<semaphore_mem>>
        %dma_start3A_38 = arith.constant 0 : i32
        %dma_start3A_39 = tpu.memref_slice %arg6[%add3A_15, %dma_start3A_38] : memref<409600x128xf32, #tpu.memory_space<hbm>> -> memref<200x128xf32, #tpu.memory_space<hbm>>
        %dma_start3A_40 = arith.constant 0 : i32
        %dma_start3A_41 = tpu.memref_slice %arg6[%add3A_15, %dma_start3A_40] : memref<409600x128xf32, #tpu.memory_space<hbm>> -> memref<200x128xf32, #tpu.memory_space<hbm>>
        tpu.enqueue_dma source(%arg12 : memref<200x128xf32, #tpu.memory_space<vmem>>) target(%dma_start3A_41 : memref<200x128xf32, #tpu.memory_space<hbm>>) target_semaphore(%run_scoped3A : memref<!tpu.dma_semaphore, #tpu.memory_space<semaphore_mem>>)
        %dma_wait3A_42 = arith.constant 0 : i32
        %dma_wait3A_43 = tpu.memref_slice %arg6[%add3A_15, %dma_wait3A_42] : memref<409600x128xf32, #tpu.memory_space<hbm>> -> memref<200x128xf32, #tpu.memory_space<hbm>>
        %dma_wait3A_44 = arith.constant 0 : i32
        %dma_wait3A_45 = tpu.memref_slice %arg6[%add3A_15, %dma_wait3A_44] : memref<409600x128xf32, #tpu.memory_space<hbm>> -> memref<200x128xf32, #tpu.memory_space<hbm>>
        tpu.wait_dma2 semaphore(%run_scoped3A : memref<!tpu.dma_semaphore, #tpu.memory_space<semaphore_mem>>) src(%arg12 : memref<200x128xf32, #tpu.memory_space<vmem>>) dst(%dma_wait3A_45 : memref<200x128xf32, #tpu.memory_space<hbm>>)
        tpu.yield
      }) : () -> ()
    }
    %scan3A_7 = arith.constant 32 : i32
    return
  }
}

module attributes {stable_mosaic.version = 14 : i64} {
  func.func @_compute_body(%arg0: i32, %arg1: memref<16x256x128xf32, #tpu.memory_space<vmem>>, %arg2: memref<16x256x128xf32, #tpu.memory_space<vmem>>, %arg3: memref<256x16xf32, #tpu.memory_space<vmem>>, %arg4: memref<128x32xf32, #tpu.memory_space<vmem>>, %arg5: memref<1x32xf32, #tpu.memory_space<vmem>>, %arg6: memref<16x32xf32, #tpu.memory_space<vmem>>, %arg7: memref<1x32xf32, #tpu.memory_space<vmem>>, %arg8: memref<32x32xf32, #tpu.memory_space<vmem>>, %arg9: memref<1x32xf32, #tpu.memory_space<vmem>>, %arg10: memref<16x8xf32, #tpu.memory_space<vmem>>, %arg11: memref<1x8xf32, #tpu.memory_space<vmem>>, %arg12: memref<8x8xf32, #tpu.memory_space<vmem>>, %arg13: memref<1x8xf32, #tpu.memory_space<vmem>>, %arg14: memref<8x16xf32, #tpu.memory_space<vmem>>, %arg15: memref<1x16xf32, #tpu.memory_space<vmem>>, %arg16: memref<16x64x64xf32, #tpu.memory_space<vmem>>, %arg17: memref<1x64xf32, #tpu.memory_space<vmem>>, %arg18: memref<64x128xf32, #tpu.memory_space<vmem>>, %arg19: memref<1x128xf32, #tpu.memory_space<vmem>>, %arg20: memref<256x128xf32, #tpu.memory_space<vmem>>, %arg21: memref<16x256x16xf32, #tpu.memory_space<vmem>>) attributes {dimension_semantics = [#tpu.dimension_semantics<arbitrary>], iteration_bounds = array<i64: 100>, scalar_prefetch = 0 : i64, scratch_operands = 0 : i64, tpu.core_type = #tpu.core_type<tc>, window_params = [{transform_indices = @transform_0, window_bounds = array<i64: 16, 256, 128>}, {transform_indices = @transform_1, window_bounds = array<i64: 16, 256, 128>}, {transform_indices = @transform_2, window_bounds = array<i64: 256, 16>}, {pipeline_mode = #tpu.pipeline_mode<synchronous>, transform_indices = @transform_3, window_bounds = array<i64: 128, 32>}, {pipeline_mode = #tpu.pipeline_mode<synchronous>, transform_indices = @transform_4, window_bounds = array<i64: 1, 32>}, {pipeline_mode = #tpu.pipeline_mode<synchronous>, transform_indices = @transform_5, window_bounds = array<i64: 16, 32>}, {pipeline_mode = #tpu.pipeline_mode<synchronous>, transform_indices = @transform_6, window_bounds = array<i64: 1, 32>}, {pipeline_mode = #tpu.pipeline_mode<synchronous>, transform_indices = @transform_7, window_bounds = array<i64: 32, 32>}, {pipeline_mode = #tpu.pipeline_mode<synchronous>, transform_indices = @transform_8, window_bounds = array<i64: 1, 32>}, {pipeline_mode = #tpu.pipeline_mode<synchronous>, transform_indices = @transform_9, window_bounds = array<i64: 16, 8>}, {pipeline_mode = #tpu.pipeline_mode<synchronous>, transform_indices = @transform_10, window_bounds = array<i64: 1, 8>}, {pipeline_mode = #tpu.pipeline_mode<synchronous>, transform_indices = @transform_11, window_bounds = array<i64: 8, 8>}, {pipeline_mode = #tpu.pipeline_mode<synchronous>, transform_indices = @transform_12, window_bounds = array<i64: 1, 8>}, {pipeline_mode = #tpu.pipeline_mode<synchronous>, transform_indices = @transform_13, window_bounds = array<i64: 8, 16>}, {pipeline_mode = #tpu.pipeline_mode<synchronous>, transform_indices = @transform_14, window_bounds = array<i64: 1, 16>}, {pipeline_mode = #tpu.pipeline_mode<synchronous>, transform_indices = @transform_15, window_bounds = array<i64: 16, 64, 64>}, {pipeline_mode = #tpu.pipeline_mode<synchronous>, transform_indices = @transform_16, window_bounds = array<i64: 1, 64>}, {pipeline_mode = #tpu.pipeline_mode<synchronous>, transform_indices = @transform_17, window_bounds = array<i64: 64, 128>}, {pipeline_mode = #tpu.pipeline_mode<synchronous>, transform_indices = @transform_18, window_bounds = array<i64: 1, 128>}, {transform_indices = @transform_19, window_bounds = array<i64: 256, 128>}, {transform_indices = @transform_20, window_bounds = array<i64: 16, 256, 16>}]} {
    %get3A = arith.constant 0 : index
    %get3A_0 = arith.constant 0 : index
    %get3A_1 = vector.load %arg3[%get3A, %get3A_0] : memref<256x16xf32, #tpu.memory_space<vmem>>, vector<256x16xf32>
    %get3A_2 = arith.constant 0 : index
    %get3A_3 = arith.constant 0 : index
    %get3A_4 = arith.constant 0 : index
    %get3A_5 = vector.load %arg1[%get3A_2, %get3A_3, %get3A_4] : memref<16x256x128xf32, #tpu.memory_space<vmem>>, vector<1x256x128xf32>
    %get3A_6 = vector.shape_cast %get3A_5 : vector<1x256x128xf32> to vector<256x128xf32>
    %get3A_7 = arith.constant 1 : index
    %get3A_8 = arith.constant 0 : index
    %get3A_9 = arith.constant 0 : index
    %get3A_10 = vector.load %arg1[%get3A_7, %get3A_8, %get3A_9] : memref<16x256x128xf32, #tpu.memory_space<vmem>>, vector<1x256x128xf32>
    %get3A_11 = vector.shape_cast %get3A_10 : vector<1x256x128xf32> to vector<256x128xf32>
    %max3A = arith.maximumf %get3A_6, %get3A_11 : vector<256x128xf32>
    %get3A_12 = arith.constant 2 : index
    %get3A_13 = arith.constant 0 : index
    %get3A_14 = arith.constant 0 : index
    %get3A_15 = vector.load %arg1[%get3A_12, %get3A_13, %get3A_14] : memref<16x256x128xf32, #tpu.memory_space<vmem>>, vector<1x256x128xf32>
    %get3A_16 = vector.shape_cast %get3A_15 : vector<1x256x128xf32> to vector<256x128xf32>
    %max3A_17 = arith.maximumf %max3A, %get3A_16 : vector<256x128xf32>
    %get3A_18 = arith.constant 3 : index
    %get3A_19 = arith.constant 0 : index
    %get3A_20 = arith.constant 0 : index
    %get3A_21 = vector.load %arg1[%get3A_18, %get3A_19, %get3A_20] : memref<16x256x128xf32, #tpu.memory_space<vmem>>, vector<1x256x128xf32>
    %get3A_22 = vector.shape_cast %get3A_21 : vector<1x256x128xf32> to vector<256x128xf32>
    %max3A_23 = arith.maximumf %max3A_17, %get3A_22 : vector<256x128xf32>
    %get3A_24 = arith.constant 4 : index
    %get3A_25 = arith.constant 0 : index
    %get3A_26 = arith.constant 0 : index
    %get3A_27 = vector.load %arg1[%get3A_24, %get3A_25, %get3A_26] : memref<16x256x128xf32, #tpu.memory_space<vmem>>, vector<1x256x128xf32>
    %get3A_28 = vector.shape_cast %get3A_27 : vector<1x256x128xf32> to vector<256x128xf32>
    %max3A_29 = arith.maximumf %max3A_23, %get3A_28 : vector<256x128xf32>
    %get3A_30 = arith.constant 5 : index
    %get3A_31 = arith.constant 0 : index
    %get3A_32 = arith.constant 0 : index
    %get3A_33 = vector.load %arg1[%get3A_30, %get3A_31, %get3A_32] : memref<16x256x128xf32, #tpu.memory_space<vmem>>, vector<1x256x128xf32>
    %get3A_34 = vector.shape_cast %get3A_33 : vector<1x256x128xf32> to vector<256x128xf32>
    %max3A_35 = arith.maximumf %max3A_29, %get3A_34 : vector<256x128xf32>
    %get3A_36 = arith.constant 6 : index
    %get3A_37 = arith.constant 0 : index
    %get3A_38 = arith.constant 0 : index
    %get3A_39 = vector.load %arg1[%get3A_36, %get3A_37, %get3A_38] : memref<16x256x128xf32, #tpu.memory_space<vmem>>, vector<1x256x128xf32>
    %get3A_40 = vector.shape_cast %get3A_39 : vector<1x256x128xf32> to vector<256x128xf32>
    %max3A_41 = arith.maximumf %max3A_35, %get3A_40 : vector<256x128xf32>
    %get3A_42 = arith.constant 7 : index
    %get3A_43 = arith.constant 0 : index
    %get3A_44 = arith.constant 0 : index
    %get3A_45 = vector.load %arg1[%get3A_42, %get3A_43, %get3A_44] : memref<16x256x128xf32, #tpu.memory_space<vmem>>, vector<1x256x128xf32>
    %get3A_46 = vector.shape_cast %get3A_45 : vector<1x256x128xf32> to vector<256x128xf32>
    %max3A_47 = arith.maximumf %max3A_41, %get3A_46 : vector<256x128xf32>
    %get3A_48 = arith.constant 8 : index
    %get3A_49 = arith.constant 0 : index
    %get3A_50 = arith.constant 0 : index
    %get3A_51 = vector.load %arg1[%get3A_48, %get3A_49, %get3A_50] : memref<16x256x128xf32, #tpu.memory_space<vmem>>, vector<1x256x128xf32>
    %get3A_52 = vector.shape_cast %get3A_51 : vector<1x256x128xf32> to vector<256x128xf32>
    %max3A_53 = arith.maximumf %max3A_47, %get3A_52 : vector<256x128xf32>
    %get3A_54 = arith.constant 9 : index
    %get3A_55 = arith.constant 0 : index
    %get3A_56 = arith.constant 0 : index
    %get3A_57 = vector.load %arg1[%get3A_54, %get3A_55, %get3A_56] : memref<16x256x128xf32, #tpu.memory_space<vmem>>, vector<1x256x128xf32>
    %get3A_58 = vector.shape_cast %get3A_57 : vector<1x256x128xf32> to vector<256x128xf32>
    %max3A_59 = arith.maximumf %max3A_53, %get3A_58 : vector<256x128xf32>
    %get3A_60 = arith.constant 10 : index
    %get3A_61 = arith.constant 0 : index
    %get3A_62 = arith.constant 0 : index
    %get3A_63 = vector.load %arg1[%get3A_60, %get3A_61, %get3A_62] : memref<16x256x128xf32, #tpu.memory_space<vmem>>, vector<1x256x128xf32>
    %get3A_64 = vector.shape_cast %get3A_63 : vector<1x256x128xf32> to vector<256x128xf32>
    %max3A_65 = arith.maximumf %max3A_59, %get3A_64 : vector<256x128xf32>
    %get3A_66 = arith.constant 11 : index
    %get3A_67 = arith.constant 0 : index
    %get3A_68 = arith.constant 0 : index
    %get3A_69 = vector.load %arg1[%get3A_66, %get3A_67, %get3A_68] : memref<16x256x128xf32, #tpu.memory_space<vmem>>, vector<1x256x128xf32>
    %get3A_70 = vector.shape_cast %get3A_69 : vector<1x256x128xf32> to vector<256x128xf32>
    %max3A_71 = arith.maximumf %max3A_65, %get3A_70 : vector<256x128xf32>
    %get3A_72 = arith.constant 12 : index
    %get3A_73 = arith.constant 0 : index
    %get3A_74 = arith.constant 0 : index
    %get3A_75 = vector.load %arg1[%get3A_72, %get3A_73, %get3A_74] : memref<16x256x128xf32, #tpu.memory_space<vmem>>, vector<1x256x128xf32>
    %get3A_76 = vector.shape_cast %get3A_75 : vector<1x256x128xf32> to vector<256x128xf32>
    %max3A_77 = arith.maximumf %max3A_71, %get3A_76 : vector<256x128xf32>
    %get3A_78 = arith.constant 13 : index
    %get3A_79 = arith.constant 0 : index
    %get3A_80 = arith.constant 0 : index
    %get3A_81 = vector.load %arg1[%get3A_78, %get3A_79, %get3A_80] : memref<16x256x128xf32, #tpu.memory_space<vmem>>, vector<1x256x128xf32>
    %get3A_82 = vector.shape_cast %get3A_81 : vector<1x256x128xf32> to vector<256x128xf32>
    %max3A_83 = arith.maximumf %max3A_77, %get3A_82 : vector<256x128xf32>
    %get3A_84 = arith.constant 14 : index
    %get3A_85 = arith.constant 0 : index
    %get3A_86 = arith.constant 0 : index
    %get3A_87 = vector.load %arg1[%get3A_84, %get3A_85, %get3A_86] : memref<16x256x128xf32, #tpu.memory_space<vmem>>, vector<1x256x128xf32>
    %get3A_88 = vector.shape_cast %get3A_87 : vector<1x256x128xf32> to vector<256x128xf32>
    %max3A_89 = arith.maximumf %max3A_83, %get3A_88 : vector<256x128xf32>
    %get3A_90 = arith.constant 15 : index
    %get3A_91 = arith.constant 0 : index
    %get3A_92 = arith.constant 0 : index
    %get3A_93 = vector.load %arg1[%get3A_90, %get3A_91, %get3A_92] : memref<16x256x128xf32, #tpu.memory_space<vmem>>, vector<1x256x128xf32>
    %get3A_94 = vector.shape_cast %get3A_93 : vector<1x256x128xf32> to vector<256x128xf32>
    %max3A_95 = arith.maximumf %max3A_89, %get3A_94 : vector<256x128xf32>
    %get3A_96 = arith.constant 0 : index
    %get3A_97 = arith.constant 0 : index
    %get3A_98 = arith.constant 0 : index
    %get3A_99 = vector.load %arg1[%get3A_96, %get3A_97, %get3A_98] : memref<16x256x128xf32, #tpu.memory_space<vmem>>, vector<16x256x128xf32>
    %reshape3A = vector.shape_cast %get3A_99 : vector<16x256x128xf32> to vector<4096x128xf32>
    %get3A_100 = arith.constant 0 : index
    %get3A_101 = arith.constant 0 : index
    %get3A_102 = arith.constant 0 : index
    %get3A_103 = vector.load %arg2[%get3A_100, %get3A_101, %get3A_102] : memref<16x256x128xf32, #tpu.memory_space<vmem>>, vector<16x256x128xf32>
    %reshape3A_104 = vector.shape_cast %get3A_103 : vector<16x256x128xf32> to vector<4096x128xf32>
    %slice3A = vector.extract_strided_slice %reshape3A_104 {offsets = [0, 0], sizes = [4096, 16], strides = [1, 1]} : vector<4096x128xf32> to vector<4096x16xf32>
    %broadcast_in_dim3A = vector.shape_cast %get3A_1 : vector<256x16xf32> to vector<1x256x16xf32>
    %broadcast_in_dim3A_105 = vector.shape_cast %broadcast_in_dim3A : vector<1x256x16xf32> to vector<1x256x16xf32>
    %broadcast_in_dim3A_106 = vector.broadcast %broadcast_in_dim3A_105 : vector<1x256x16xf32> to vector<16x256x16xf32>
    %reshape3A_107 = vector.shape_cast %broadcast_in_dim3A_106 : vector<16x256x16xf32> to vector<4096x16xf32>
    %get3A_108 = arith.constant 0 : index
    %get3A_109 = arith.constant 0 : index
    %get3A_110 = vector.load %arg4[%get3A_108, %get3A_109] : memref<128x32xf32, #tpu.memory_space<vmem>>, vector<128x32xf32>
    %dot_general3A = arith.constant dense<0.000000e+00> : vector<4096x32xf32>
    %dot_general3A_111 = tpu.matmul %reshape3A, %get3A_110, %dot_general3A {dimension_numbers = #tpu.dot_dimension_numbers<[1], [0], [0], [1], [0, 0, 1, 1], [], []>, transpose_lhs_hint = false} : vector<4096x128xf32>, vector<128x32xf32>, vector<4096x32xf32> -> vector<4096x32xf32>
    %get3A_112 = arith.constant 0 : index
    %get3A_113 = arith.constant 0 : index
    %get3A_114 = vector.load %arg5[%get3A_112, %get3A_113] : memref<1x32xf32, #tpu.memory_space<vmem>>, vector<1x32xf32>
    %add3A = vector.broadcast %get3A_114 : vector<1x32xf32> to vector<4096x32xf32>
    %add3A_115 = arith.addf %dot_general3A_111, %add3A : vector<4096x32xf32>
    %sub3A = arith.subf %slice3A, %reshape3A_107 : vector<4096x16xf32>
    %reshape3A_116 = vector.shape_cast %sub3A : vector<4096x16xf32> to vector<16x256x16xf32>
    %swap3A = arith.constant 0 : index
    %swap3A_117 = arith.constant 0 : index
    %swap3A_118 = arith.constant 0 : index
    %swap3A_119 = vector.load %arg21[%swap3A, %swap3A_117, %swap3A_118] : memref<16x256x16xf32, #tpu.memory_space<vmem>>, vector<16x256x16xf32>
    tpu.vector_store %arg21[%swap3A, %swap3A_117, %swap3A_118], %reshape3A_116 {strides = array<i32>} : memref<16x256x16xf32, #tpu.memory_space<vmem>>, vector<16x256x16xf32>,
    %get3A_120 = arith.constant 0 : index
    %get3A_121 = arith.constant 0 : index
    %get3A_122 = vector.load %arg6[%get3A_120, %get3A_121] : memref<16x32xf32, #tpu.memory_space<vmem>>, vector<16x32xf32>
    %dot_general3A_123 = arith.constant dense<0.000000e+00> : vector<4096x32xf32>
    %dot_general3A_124 = tpu.matmul %sub3A, %get3A_122, %dot_general3A_123 {dimension_numbers = #tpu.dot_dimension_numbers<[1], [0], [0], [1], [0, 0, 1, 1], [], []>, transpose_lhs_hint = false} : vector<4096x16xf32>, vector<16x32xf32>, vector<4096x32xf32> -> vector<4096x32xf32>
    %get3A_125 = arith.constant 0 : index
    %get3A_126 = arith.constant 0 : index
    %get3A_127 = vector.load %arg7[%get3A_125, %get3A_126] : memref<1x32xf32, #tpu.memory_space<vmem>>, vector<1x32xf32>
    %add3A_128 = vector.broadcast %get3A_127 : vector<1x32xf32> to vector<4096x32xf32>
    %add3A_129 = arith.addf %dot_general3A_124, %add3A_128 : vector<4096x32xf32>
    %ge3A = arith.constant 0.000000e+00 : f32
    %ge3A_130 = vector.broadcast %ge3A : f32 to vector<4096x32xf32>
    %ge3A_131 = arith.cmpf oge, %add3A_129, %ge3A_130 : vector<4096x32xf32>
    %mul3A = arith.constant 1.000000e-01 : f32
    %mul3A_132 = vector.broadcast %mul3A : f32 to vector<4096x32xf32>
    %mul3A_133 = arith.mulf %mul3A_132, %add3A_129 : vector<4096x32xf32>
    %select_n3A = arith.select %ge3A_131, %add3A_129, %mul3A_133 : vector<4096x32xi1>, vector<4096x32xf32>
    %get3A_134 = arith.constant 0 : index
    %get3A_135 = arith.constant 0 : index
    %get3A_136 = vector.load %arg8[%get3A_134, %get3A_135] : memref<32x32xf32, #tpu.memory_space<vmem>>, vector<32x32xf32>
    %dot_general3A_137 = arith.constant dense<0.000000e+00> : vector<4096x32xf32>
    %dot_general3A_138 = tpu.matmul %select_n3A, %get3A_136, %dot_general3A_137 {dimension_numbers = #tpu.dot_dimension_numbers<[1], [0], [0], [1], [0, 0, 1, 1], [], []>, transpose_lhs_hint = false} : vector<4096x32xf32>, vector<32x32xf32>, vector<4096x32xf32> -> vector<4096x32xf32>
    %get3A_139 = arith.constant 0 : index
    %get3A_140 = arith.constant 0 : index
    %get3A_141 = vector.load %arg9[%get3A_139, %get3A_140] : memref<1x32xf32, #tpu.memory_space<vmem>>, vector<1x32xf32>
    %add3A_142 = vector.broadcast %get3A_141 : vector<1x32xf32> to vector<4096x32xf32>
    %add3A_143 = arith.addf %dot_general3A_138, %add3A_142 : vector<4096x32xf32>
    %ge3A_144 = arith.constant 0.000000e+00 : f32
    %ge3A_145 = vector.broadcast %ge3A_144 : f32 to vector<4096x32xf32>
    %ge3A_146 = arith.cmpf oge, %add3A_143, %ge3A_145 : vector<4096x32xf32>
    %mul3A_147 = arith.constant 1.000000e-01 : f32
    %mul3A_148 = vector.broadcast %mul3A_147 : f32 to vector<4096x32xf32>
    %mul3A_149 = arith.mulf %mul3A_148, %add3A_143 : vector<4096x32xf32>
    %select_n3A_150 = arith.select %ge3A_146, %add3A_143, %mul3A_149 : vector<4096x32xi1>, vector<4096x32xf32>
    %concatenate3A = tpu.concatenate %add3A_115, %select_n3A_150 in 1 : vector<4096x32xf32>, vector<4096x32xf32> -> vector<4096x64xf32>
    %get3A_151 = arith.constant 0 : index
    %get3A_152 = arith.constant 0 : index
    %get3A_153 = vector.load %arg10[%get3A_151, %get3A_152] : memref<16x8xf32, #tpu.memory_space<vmem>>, vector<16x8xf32>
    %dot_general3A_154 = arith.constant dense<0.000000e+00> : vector<4096x8xf32>
    %dot_general3A_155 = tpu.matmul %sub3A, %get3A_153, %dot_general3A_154 {dimension_numbers = #tpu.dot_dimension_numbers<[1], [0], [0], [1], [0, 0, 1, 1], [], []>, transpose_lhs_hint = false} : vector<4096x16xf32>, vector<16x8xf32>, vector<4096x8xf32> -> vector<4096x8xf32>
    %get3A_156 = arith.constant 0 : index
    %get3A_157 = arith.constant 0 : index
    %get3A_158 = vector.load %arg11[%get3A_156, %get3A_157] : memref<1x8xf32, #tpu.memory_space<vmem>>, vector<1x8xf32>
    %add3A_159 = vector.broadcast %get3A_158 : vector<1x8xf32> to vector<4096x8xf32>
    %add3A_160 = arith.addf %dot_general3A_155, %add3A_159 : vector<4096x8xf32>
    %ge3A_161 = arith.constant 0.000000e+00 : f32
    %ge3A_162 = vector.broadcast %ge3A_161 : f32 to vector<4096x8xf32>
    %ge3A_163 = arith.cmpf oge, %add3A_160, %ge3A_162 : vector<4096x8xf32>
    %mul3A_164 = arith.constant 1.000000e-01 : f32
    %mul3A_165 = vector.broadcast %mul3A_164 : f32 to vector<4096x8xf32>
    %mul3A_166 = arith.mulf %mul3A_165, %add3A_160 : vector<4096x8xf32>
    %select_n3A_167 = arith.select %ge3A_163, %add3A_160, %mul3A_166 : vector<4096x8xi1>, vector<4096x8xf32>
    %get3A_168 = arith.constant 0 : index
    %get3A_169 = arith.constant 0 : index
    %get3A_170 = vector.load %arg12[%get3A_168, %get3A_169] : memref<8x8xf32, #tpu.memory_space<vmem>>, vector<8x8xf32>
    %dot_general3A_171 = arith.constant dense<0.000000e+00> : vector<4096x8xf32>
    %dot_general3A_172 = tpu.matmul %select_n3A_167, %get3A_170, %dot_general3A_171 {dimension_numbers = #tpu.dot_dimension_numbers<[1], [0], [0], [1], [0, 0, 1, 1], [], []>, transpose_lhs_hint = false} : vector<4096x8xf32>, vector<8x8xf32>, vector<4096x8xf32> -> vector<4096x8xf32>
    %get3A_173 = arith.constant 0 : index
    %get3A_174 = arith.constant 0 : index
    %get3A_175 = vector.load %arg13[%get3A_173, %get3A_174] : memref<1x8xf32, #tpu.memory_space<vmem>>, vector<1x8xf32>
    %add3A_176 = vector.broadcast %get3A_175 : vector<1x8xf32> to vector<4096x8xf32>
    %add3A_177 = arith.addf %dot_general3A_172, %add3A_176 : vector<4096x8xf32>
    %get3A_178 = arith.constant 0 : index
    %get3A_179 = arith.constant 0 : index
    %get3A_180 = vector.load %arg14[%get3A_178, %get3A_179] : memref<8x16xf32, #tpu.memory_space<vmem>>, vector<8x16xf32>
    %dot_general3A_181 = arith.constant dense<0.000000e+00> : vector<4096x16xf32>
    %dot_general3A_182 = tpu.matmul %add3A_177, %get3A_180, %dot_general3A_181 {dimension_numbers = #tpu.dot_dimension_numbers<[1], [0], [0], [1], [0, 0, 1, 1], [], []>, transpose_lhs_hint = false} : vector<4096x8xf32>, vector<8x16xf32>, vector<4096x16xf32> -> vector<4096x16xf32>
    %get3A_183 = arith.constant 0 : index
    %get3A_184 = arith.constant 0 : index
    %get3A_185 = vector.load %arg15[%get3A_183, %get3A_184] : memref<1x16xf32, #tpu.memory_space<vmem>>, vector<1x16xf32>
    %add3A_186 = vector.broadcast %get3A_185 : vector<1x16xf32> to vector<4096x16xf32>
    %add3A_187 = arith.addf %dot_general3A_182, %add3A_186 : vector<4096x16xf32>
    %ge3A_188 = arith.constant 0.000000e+00 : f32
    %ge3A_189 = vector.broadcast %ge3A_188 : f32 to vector<4096x16xf32>
    %ge3A_190 = arith.cmpf oge, %add3A_187, %ge3A_189 : vector<4096x16xf32>
    %mul3A_191 = arith.constant 1.000000e-01 : f32
    %mul3A_192 = vector.broadcast %mul3A_191 : f32 to vector<4096x16xf32>
    %mul3A_193 = arith.mulf %mul3A_192, %add3A_187 : vector<4096x16xf32>
    %select_n3A_194 = arith.select %ge3A_190, %add3A_187, %mul3A_193 : vector<4096x16xi1>, vector<4096x16xf32>
    %slice3A_195 = vector.extract_strided_slice %select_n3A_194 {offsets = [0, 0], sizes = [4096, 1], strides = [1, 1]} : vector<4096x16xf32> to vector<4096x1xf32>
    %mul3A_196 = vector.broadcast %slice3A_195 : vector<4096x1xf32> to vector<4096x64xf32>
    %mul3A_197 = arith.mulf %concatenate3A, %mul3A_196 : vector<4096x64xf32>
    %reshape3A_198 = vector.shape_cast %mul3A_197 : vector<4096x64xf32> to vector<16x256x64xf32>
    %slice3A_199 = vector.extract_strided_slice %reshape3A_198 {offsets = [0, 0, 0], sizes = [1, 256, 64], strides = [1, 1, 1]} : vector<16x256x64xf32> to vector<1x256x64xf32>
    %squeeze3A = vector.shape_cast %slice3A_199 : vector<1x256x64xf32> to vector<256x64xf32>
    %slice3A_200 = vector.extract_strided_slice %reshape3A_198 {offsets = [1, 0, 0], sizes = [1, 256, 64], strides = [1, 1, 1]} : vector<16x256x64xf32> to vector<1x256x64xf32>
    %squeeze3A_201 = vector.shape_cast %slice3A_200 : vector<1x256x64xf32> to vector<256x64xf32>
    %add3A_202 = arith.addf %squeeze3A, %squeeze3A_201 : vector<256x64xf32>
    %slice3A_203 = vector.extract_strided_slice %reshape3A_198 {offsets = [2, 0, 0], sizes = [1, 256, 64], strides = [1, 1, 1]} : vector<16x256x64xf32> to vector<1x256x64xf32>
    %squeeze3A_204 = vector.shape_cast %slice3A_203 : vector<1x256x64xf32> to vector<256x64xf32>
    %add3A_205 = arith.addf %add3A_202, %squeeze3A_204 : vector<256x64xf32>
    %slice3A_206 = vector.extract_strided_slice %reshape3A_198 {offsets = [3, 0, 0], sizes = [1, 256, 64], strides = [1, 1, 1]} : vector<16x256x64xf32> to vector<1x256x64xf32>
    %squeeze3A_207 = vector.shape_cast %slice3A_206 : vector<1x256x64xf32> to vector<256x64xf32>
    %add3A_208 = arith.addf %add3A_205, %squeeze3A_207 : vector<256x64xf32>
    %slice3A_209 = vector.extract_strided_slice %reshape3A_198 {offsets = [4, 0, 0], sizes = [1, 256, 64], strides = [1, 1, 1]} : vector<16x256x64xf32> to vector<1x256x64xf32>
    %squeeze3A_210 = vector.shape_cast %slice3A_209 : vector<1x256x64xf32> to vector<256x64xf32>
    %add3A_211 = arith.addf %add3A_208, %squeeze3A_210 : vector<256x64xf32>
    %slice3A_212 = vector.extract_strided_slice %reshape3A_198 {offsets = [5, 0, 0], sizes = [1, 256, 64], strides = [1, 1, 1]} : vector<16x256x64xf32> to vector<1x256x64xf32>
    %squeeze3A_213 = vector.shape_cast %slice3A_212 : vector<1x256x64xf32> to vector<256x64xf32>
    %add3A_214 = arith.addf %add3A_211, %squeeze3A_213 : vector<256x64xf32>
    %slice3A_215 = vector.extract_strided_slice %reshape3A_198 {offsets = [6, 0, 0], sizes = [1, 256, 64], strides = [1, 1, 1]} : vector<16x256x64xf32> to vector<1x256x64xf32>
    %squeeze3A_216 = vector.shape_cast %slice3A_215 : vector<1x256x64xf32> to vector<256x64xf32>
    %add3A_217 = arith.addf %add3A_214, %squeeze3A_216 : vector<256x64xf32>
    %slice3A_218 = vector.extract_strided_slice %reshape3A_198 {offsets = [7, 0, 0], sizes = [1, 256, 64], strides = [1, 1, 1]} : vector<16x256x64xf32> to vector<1x256x64xf32>
    %squeeze3A_219 = vector.shape_cast %slice3A_218 : vector<1x256x64xf32> to vector<256x64xf32>
    %add3A_220 = arith.addf %add3A_217, %squeeze3A_219 : vector<256x64xf32>
    %slice3A_221 = vector.extract_strided_slice %reshape3A_198 {offsets = [8, 0, 0], sizes = [1, 256, 64], strides = [1, 1, 1]} : vector<16x256x64xf32> to vector<1x256x64xf32>
    %squeeze3A_222 = vector.shape_cast %slice3A_221 : vector<1x256x64xf32> to vector<256x64xf32>
    %add3A_223 = arith.addf %add3A_220, %squeeze3A_222 : vector<256x64xf32>
    %slice3A_224 = vector.extract_strided_slice %reshape3A_198 {offsets = [9, 0, 0], sizes = [1, 256, 64], strides = [1, 1, 1]} : vector<16x256x64xf32> to vector<1x256x64xf32>
    %squeeze3A_225 = vector.shape_cast %slice3A_224 : vector<1x256x64xf32> to vector<256x64xf32>
    %add3A_226 = arith.addf %add3A_223, %squeeze3A_225 : vector<256x64xf32>
    %slice3A_227 = vector.extract_strided_slice %reshape3A_198 {offsets = [10, 0, 0], sizes = [1, 256, 64], strides = [1, 1, 1]} : vector<16x256x64xf32> to vector<1x256x64xf32>
    %squeeze3A_228 = vector.shape_cast %slice3A_227 : vector<1x256x64xf32> to vector<256x64xf32>
    %add3A_229 = arith.addf %add3A_226, %squeeze3A_228 : vector<256x64xf32>
    %slice3A_230 = vector.extract_strided_slice %reshape3A_198 {offsets = [11, 0, 0], sizes = [1, 256, 64], strides = [1, 1, 1]} : vector<16x256x64xf32> to vector<1x256x64xf32>
    %squeeze3A_231 = vector.shape_cast %slice3A_230 : vector<1x256x64xf32> to vector<256x64xf32>
    %add3A_232 = arith.addf %add3A_229, %squeeze3A_231 : vector<256x64xf32>
    %slice3A_233 = vector.extract_strided_slice %reshape3A_198 {offsets = [12, 0, 0], sizes = [1, 256, 64], strides = [1, 1, 1]} : vector<16x256x64xf32> to vector<1x256x64xf32>
    %squeeze3A_234 = vector.shape_cast %slice3A_233 : vector<1x256x64xf32> to vector<256x64xf32>
    %add3A_235 = arith.addf %add3A_232, %squeeze3A_234 : vector<256x64xf32>
    %slice3A_236 = vector.extract_strided_slice %reshape3A_198 {offsets = [13, 0, 0], sizes = [1, 256, 64], strides = [1, 1, 1]} : vector<16x256x64xf32> to vector<1x256x64xf32>
    %squeeze3A_237 = vector.shape_cast %slice3A_236 : vector<1x256x64xf32> to vector<256x64xf32>
    %add3A_238 = arith.addf %add3A_235, %squeeze3A_237 : vector<256x64xf32>
    %slice3A_239 = vector.extract_strided_slice %reshape3A_198 {offsets = [14, 0, 0], sizes = [1, 256, 64], strides = [1, 1, 1]} : vector<16x256x64xf32> to vector<1x256x64xf32>
    %squeeze3A_240 = vector.shape_cast %slice3A_239 : vector<1x256x64xf32> to vector<256x64xf32>
    %add3A_241 = arith.addf %add3A_238, %squeeze3A_240 : vector<256x64xf32>
    %slice3A_242 = vector.extract_strided_slice %reshape3A_198 {offsets = [15, 0, 0], sizes = [1, 256, 64], strides = [1, 1, 1]} : vector<16x256x64xf32> to vector<1x256x64xf32>
    %squeeze3A_243 = vector.shape_cast %slice3A_242 : vector<1x256x64xf32> to vector<256x64xf32>
    %add3A_244 = arith.addf %add3A_241, %squeeze3A_243 : vector<256x64xf32>
    %get3A_245 = arith.constant 0 : index
    %get3A_246 = arith.constant 0 : index
    %get3A_247 = arith.constant 0 : index
    %get3A_248 = vector.load %arg16[%get3A_245, %get3A_246, %get3A_247] : memref<16x64x64xf32, #tpu.memory_space<vmem>>, vector<1x64x64xf32>
    %get3A_249 = vector.shape_cast %get3A_248 : vector<1x64x64xf32> to vector<64x64xf32>
    %dot_general3A_250 = arith.constant dense<0.000000e+00> : vector<256x64xf32>
    %dot_general3A_251 = tpu.matmul %add3A_244, %get3A_249, %dot_general3A_250 {dimension_numbers = #tpu.dot_dimension_numbers<[1], [0], [0], [1], [0, 0, 1, 1], [], []>, transpose_lhs_hint = false} : vector<256x64xf32>, vector<64x64xf32>, vector<256x64xf32> -> vector<256x64xf32>
    %slice3A_252 = vector.extract_strided_slice %select_n3A_194 {offsets = [0, 1], sizes = [4096, 1], strides = [1, 1]} : vector<4096x16xf32> to vector<4096x1xf32>
    %mul3A_253 = vector.broadcast %slice3A_252 : vector<4096x1xf32> to vector<4096x64xf32>
    %mul3A_254 = arith.mulf %concatenate3A, %mul3A_253 : vector<4096x64xf32>
    %reshape3A_255 = vector.shape_cast %mul3A_254 : vector<4096x64xf32> to vector<16x256x64xf32>
    %slice3A_256 = vector.extract_strided_slice %reshape3A_255 {offsets = [0, 0, 0], sizes = [1, 256, 64], strides = [1, 1, 1]} : vector<16x256x64xf32> to vector<1x256x64xf32>
    %squeeze3A_257 = vector.shape_cast %slice3A_256 : vector<1x256x64xf32> to vector<256x64xf32>
    %slice3A_258 = vector.extract_strided_slice %reshape3A_255 {offsets = [1, 0, 0], sizes = [1, 256, 64], strides = [1, 1, 1]} : vector<16x256x64xf32> to vector<1x256x64xf32>
    %squeeze3A_259 = vector.shape_cast %slice3A_258 : vector<1x256x64xf32> to vector<256x64xf32>
    %add3A_260 = arith.addf %squeeze3A_257, %squeeze3A_259 : vector<256x64xf32>
    %slice3A_261 = vector.extract_strided_slice %reshape3A_255 {offsets = [2, 0, 0], sizes = [1, 256, 64], strides = [1, 1, 1]} : vector<16x256x64xf32> to vector<1x256x64xf32>
    %squeeze3A_262 = vector.shape_cast %slice3A_261 : vector<1x256x64xf32> to vector<256x64xf32>
    %add3A_263 = arith.addf %add3A_260, %squeeze3A_262 : vector<256x64xf32>
    %slice3A_264 = vector.extract_strided_slice %reshape3A_255 {offsets = [3, 0, 0], sizes = [1, 256, 64], strides = [1, 1, 1]} : vector<16x256x64xf32> to vector<1x256x64xf32>
    %squeeze3A_265 = vector.shape_cast %slice3A_264 : vector<1x256x64xf32> to vector<256x64xf32>
    %add3A_266 = arith.addf %add3A_263, %squeeze3A_265 : vector<256x64xf32>
    %slice3A_267 = vector.extract_strided_slice %reshape3A_255 {offsets = [4, 0, 0], sizes = [1, 256, 64], strides = [1, 1, 1]} : vector<16x256x64xf32> to vector<1x256x64xf32>
    %squeeze3A_268 = vector.shape_cast %slice3A_267 : vector<1x256x64xf32> to vector<256x64xf32>
    %add3A_269 = arith.addf %add3A_266, %squeeze3A_268 : vector<256x64xf32>
    %slice3A_270 = vector.extract_strided_slice %reshape3A_255 {offsets = [5, 0, 0], sizes = [1, 256, 64], strides = [1, 1, 1]} : vector<16x256x64xf32> to vector<1x256x64xf32>
    %squeeze3A_271 = vector.shape_cast %slice3A_270 : vector<1x256x64xf32> to vector<256x64xf32>
    %add3A_272 = arith.addf %add3A_269, %squeeze3A_271 : vector<256x64xf32>
    %slice3A_273 = vector.extract_strided_slice %reshape3A_255 {offsets = [6, 0, 0], sizes = [1, 256, 64], strides = [1, 1, 1]} : vector<16x256x64xf32> to vector<1x256x64xf32>
    %squeeze3A_274 = vector.shape_cast %slice3A_273 : vector<1x256x64xf32> to vector<256x64xf32>
    %add3A_275 = arith.addf %add3A_272, %squeeze3A_274 : vector<256x64xf32>
    %slice3A_276 = vector.extract_strided_slice %reshape3A_255 {offsets = [7, 0, 0], sizes = [1, 256, 64], strides = [1, 1, 1]} : vector<16x256x64xf32> to vector<1x256x64xf32>
    %squeeze3A_277 = vector.shape_cast %slice3A_276 : vector<1x256x64xf32> to vector<256x64xf32>
    %add3A_278 = arith.addf %add3A_275, %squeeze3A_277 : vector<256x64xf32>
    %slice3A_279 = vector.extract_strided_slice %reshape3A_255 {offsets = [8, 0, 0], sizes = [1, 256, 64], strides = [1, 1, 1]} : vector<16x256x64xf32> to vector<1x256x64xf32>
    %squeeze3A_280 = vector.shape_cast %slice3A_279 : vector<1x256x64xf32> to vector<256x64xf32>
    %add3A_281 = arith.addf %add3A_278, %squeeze3A_280 : vector<256x64xf32>
    %slice3A_282 = vector.extract_strided_slice %reshape3A_255 {offsets = [9, 0, 0], sizes = [1, 256, 64], strides = [1, 1, 1]} : vector<16x256x64xf32> to vector<1x256x64xf32>
    %squeeze3A_283 = vector.shape_cast %slice3A_282 : vector<1x256x64xf32> to vector<256x64xf32>
    %add3A_284 = arith.addf %add3A_281, %squeeze3A_283 : vector<256x64xf32>
    %slice3A_285 = vector.extract_strided_slice %reshape3A_255 {offsets = [10, 0, 0], sizes = [1, 256, 64], strides = [1, 1, 1]} : vector<16x256x64xf32> to vector<1x256x64xf32>
    %squeeze3A_286 = vector.shape_cast %slice3A_285 : vector<1x256x64xf32> to vector<256x64xf32>
    %add3A_287 = arith.addf %add3A_284, %squeeze3A_286 : vector<256x64xf32>
    %slice3A_288 = vector.extract_strided_slice %reshape3A_255 {offsets = [11, 0, 0], sizes = [1, 256, 64], strides = [1, 1, 1]} : vector<16x256x64xf32> to vector<1x256x64xf32>
    %squeeze3A_289 = vector.shape_cast %slice3A_288 : vector<1x256x64xf32> to vector<256x64xf32>
    %add3A_290 = arith.addf %add3A_287, %squeeze3A_289 : vector<256x64xf32>
    %slice3A_291 = vector.extract_strided_slice %reshape3A_255 {offsets = [12, 0, 0], sizes = [1, 256, 64], strides = [1, 1, 1]} : vector<16x256x64xf32> to vector<1x256x64xf32>
    %squeeze3A_292 = vector.shape_cast %slice3A_291 : vector<1x256x64xf32> to vector<256x64xf32>
    %add3A_293 = arith.addf %add3A_290, %squeeze3A_292 : vector<256x64xf32>
    %slice3A_294 = vector.extract_strided_slice %reshape3A_255 {offsets = [13, 0, 0], sizes = [1, 256, 64], strides = [1, 1, 1]} : vector<16x256x64xf32> to vector<1x256x64xf32>
    %squeeze3A_295 = vector.shape_cast %slice3A_294 : vector<1x256x64xf32> to vector<256x64xf32>
    %add3A_296 = arith.addf %add3A_293, %squeeze3A_295 : vector<256x64xf32>
    %slice3A_297 = vector.extract_strided_slice %reshape3A_255 {offsets = [14, 0, 0], sizes = [1, 256, 64], strides = [1, 1, 1]} : vector<16x256x64xf32> to vector<1x256x64xf32>
    %squeeze3A_298 = vector.shape_cast %slice3A_297 : vector<1x256x64xf32> to vector<256x64xf32>
    %add3A_299 = arith.addf %add3A_296, %squeeze3A_298 : vector<256x64xf32>
    %slice3A_300 = vector.extract_strided_slice %reshape3A_255 {offsets = [15, 0, 0], sizes = [1, 256, 64], strides = [1, 1, 1]} : vector<16x256x64xf32> to vector<1x256x64xf32>
    %squeeze3A_301 = vector.shape_cast %slice3A_300 : vector<1x256x64xf32> to vector<256x64xf32>
    %add3A_302 = arith.addf %add3A_299, %squeeze3A_301 : vector<256x64xf32>
    %get3A_303 = arith.constant 1 : index
    %get3A_304 = arith.constant 0 : index
    %get3A_305 = arith.constant 0 : index
    %get3A_306 = vector.load %arg16[%get3A_303, %get3A_304, %get3A_305] : memref<16x64x64xf32, #tpu.memory_space<vmem>>, vector<1x64x64xf32>
    %get3A_307 = vector.shape_cast %get3A_306 : vector<1x64x64xf32> to vector<64x64xf32>
    %dot_general3A_308 = arith.constant dense<0.000000e+00> : vector<256x64xf32>
    %dot_general3A_309 = tpu.matmul %add3A_302, %get3A_307, %dot_general3A_308 {dimension_numbers = #tpu.dot_dimension_numbers<[1], [0], [0], [1], [0, 0, 1, 1], [], []>, transpose_lhs_hint = false} : vector<256x64xf32>, vector<64x64xf32>, vector<256x64xf32> -> vector<256x64xf32>
    %add3A_310 = arith.addf %dot_general3A_251, %dot_general3A_309 : vector<256x64xf32>
    %slice3A_311 = vector.extract_strided_slice %select_n3A_194 {offsets = [0, 2], sizes = [4096, 1], strides = [1, 1]} : vector<4096x16xf32> to vector<4096x1xf32>
    %mul3A_312 = vector.broadcast %slice3A_311 : vector<4096x1xf32> to vector<4096x64xf32>
    %mul3A_313 = arith.mulf %concatenate3A, %mul3A_312 : vector<4096x64xf32>
    %reshape3A_314 = vector.shape_cast %mul3A_313 : vector<4096x64xf32> to vector<16x256x64xf32>
    %slice3A_315 = vector.extract_strided_slice %reshape3A_314 {offsets = [0, 0, 0], sizes = [1, 256, 64], strides = [1, 1, 1]} : vector<16x256x64xf32> to vector<1x256x64xf32>
    %squeeze3A_316 = vector.shape_cast %slice3A_315 : vector<1x256x64xf32> to vector<256x64xf32>
    %slice3A_317 = vector.extract_strided_slice %reshape3A_314 {offsets = [1, 0, 0], sizes = [1, 256, 64], strides = [1, 1, 1]} : vector<16x256x64xf32> to vector<1x256x64xf32>
    %squeeze3A_318 = vector.shape_cast %slice3A_317 : vector<1x256x64xf32> to vector<256x64xf32>
    %add3A_319 = arith.addf %squeeze3A_316, %squeeze3A_318 : vector<256x64xf32>
    %slice3A_320 = vector.extract_strided_slice %reshape3A_314 {offsets = [2, 0, 0], sizes = [1, 256, 64], strides = [1, 1, 1]} : vector<16x256x64xf32> to vector<1x256x64xf32>
    %squeeze3A_321 = vector.shape_cast %slice3A_320 : vector<1x256x64xf32> to vector<256x64xf32>
    %add3A_322 = arith.addf %add3A_319, %squeeze3A_321 : vector<256x64xf32>
    %slice3A_323 = vector.extract_strided_slice %reshape3A_314 {offsets = [3, 0, 0], sizes = [1, 256, 64], strides = [1, 1, 1]} : vector<16x256x64xf32> to vector<1x256x64xf32>
    %squeeze3A_324 = vector.shape_cast %slice3A_323 : vector<1x256x64xf32> to vector<256x64xf32>
    %add3A_325 = arith.addf %add3A_322, %squeeze3A_324 : vector<256x64xf32>
    %slice3A_326 = vector.extract_strided_slice %reshape3A_314 {offsets = [4, 0, 0], sizes = [1, 256, 64], strides = [1, 1, 1]} : vector<16x256x64xf32> to vector<1x256x64xf32>
    %squeeze3A_327 = vector.shape_cast %slice3A_326 : vector<1x256x64xf32> to vector<256x64xf32>
    %add3A_328 = arith.addf %add3A_325, %squeeze3A_327 : vector<256x64xf32>
    %slice3A_329 = vector.extract_strided_slice %reshape3A_314 {offsets = [5, 0, 0], sizes = [1, 256, 64], strides = [1, 1, 1]} : vector<16x256x64xf32> to vector<1x256x64xf32>
    %squeeze3A_330 = vector.shape_cast %slice3A_329 : vector<1x256x64xf32> to vector<256x64xf32>
    %add3A_331 = arith.addf %add3A_328, %squeeze3A_330 : vector<256x64xf32>
    %slice3A_332 = vector.extract_strided_slice %reshape3A_314 {offsets = [6, 0, 0], sizes = [1, 256, 64], strides = [1, 1, 1]} : vector<16x256x64xf32> to vector<1x256x64xf32>
    %squeeze3A_333 = vector.shape_cast %slice3A_332 : vector<1x256x64xf32> to vector<256x64xf32>
    %add3A_334 = arith.addf %add3A_331, %squeeze3A_333 : vector<256x64xf32>
    %slice3A_335 = vector.extract_strided_slice %reshape3A_314 {offsets = [7, 0, 0], sizes = [1, 256, 64], strides = [1, 1, 1]} : vector<16x256x64xf32> to vector<1x256x64xf32>
    %squeeze3A_336 = vector.shape_cast %slice3A_335 : vector<1x256x64xf32> to vector<256x64xf32>
    %add3A_337 = arith.addf %add3A_334, %squeeze3A_336 : vector<256x64xf32>
    %slice3A_338 = vector.extract_strided_slice %reshape3A_314 {offsets = [8, 0, 0], sizes = [1, 256, 64], strides = [1, 1, 1]} : vector<16x256x64xf32> to vector<1x256x64xf32>
    %squeeze3A_339 = vector.shape_cast %slice3A_338 : vector<1x256x64xf32> to vector<256x64xf32>
    %add3A_340 = arith.addf %add3A_337, %squeeze3A_339 : vector<256x64xf32>
    %slice3A_341 = vector.extract_strided_slice %reshape3A_314 {offsets = [9, 0, 0], sizes = [1, 256, 64], strides = [1, 1, 1]} : vector<16x256x64xf32> to vector<1x256x64xf32>
    %squeeze3A_342 = vector.shape_cast %slice3A_341 : vector<1x256x64xf32> to vector<256x64xf32>
    %add3A_343 = arith.addf %add3A_340, %squeeze3A_342 : vector<256x64xf32>
    %slice3A_344 = vector.extract_strided_slice %reshape3A_314 {offsets = [10, 0, 0], sizes = [1, 256, 64], strides = [1, 1, 1]} : vector<16x256x64xf32> to vector<1x256x64xf32>
    %squeeze3A_345 = vector.shape_cast %slice3A_344 : vector<1x256x64xf32> to vector<256x64xf32>
    %add3A_346 = arith.addf %add3A_343, %squeeze3A_345 : vector<256x64xf32>
    %slice3A_347 = vector.extract_strided_slice %reshape3A_314 {offsets = [11, 0, 0], sizes = [1, 256, 64], strides = [1, 1, 1]} : vector<16x256x64xf32> to vector<1x256x64xf32>
    %squeeze3A_348 = vector.shape_cast %slice3A_347 : vector<1x256x64xf32> to vector<256x64xf32>
    %add3A_349 = arith.addf %add3A_346, %squeeze3A_348 : vector<256x64xf32>
    %slice3A_350 = vector.extract_strided_slice %reshape3A_314 {offsets = [12, 0, 0], sizes = [1, 256, 64], strides = [1, 1, 1]} : vector<16x256x64xf32> to vector<1x256x64xf32>
    %squeeze3A_351 = vector.shape_cast %slice3A_350 : vector<1x256x64xf32> to vector<256x64xf32>
    %add3A_352 = arith.addf %add3A_349, %squeeze3A_351 : vector<256x64xf32>
    %slice3A_353 = vector.extract_strided_slice %reshape3A_314 {offsets = [13, 0, 0], sizes = [1, 256, 64], strides = [1, 1, 1]} : vector<16x256x64xf32> to vector<1x256x64xf32>
    %squeeze3A_354 = vector.shape_cast %slice3A_353 : vector<1x256x64xf32> to vector<256x64xf32>
    %add3A_355 = arith.addf %add3A_352, %squeeze3A_354 : vector<256x64xf32>
    %slice3A_356 = vector.extract_strided_slice %reshape3A_314 {offsets = [14, 0, 0], sizes = [1, 256, 64], strides = [1, 1, 1]} : vector<16x256x64xf32> to vector<1x256x64xf32>
    %squeeze3A_357 = vector.shape_cast %slice3A_356 : vector<1x256x64xf32> to vector<256x64xf32>
    %add3A_358 = arith.addf %add3A_355, %squeeze3A_357 : vector<256x64xf32>
    %slice3A_359 = vector.extract_strided_slice %reshape3A_314 {offsets = [15, 0, 0], sizes = [1, 256, 64], strides = [1, 1, 1]} : vector<16x256x64xf32> to vector<1x256x64xf32>
    %squeeze3A_360 = vector.shape_cast %slice3A_359 : vector<1x256x64xf32> to vector<256x64xf32>
    %add3A_361 = arith.addf %add3A_358, %squeeze3A_360 : vector<256x64xf32>
    %get3A_362 = arith.constant 2 : index
    %get3A_363 = arith.constant 0 : index
    %get3A_364 = arith.constant 0 : index
    %get3A_365 = vector.load %arg16[%get3A_362, %get3A_363, %get3A_364] : memref<16x64x64xf32, #tpu.memory_space<vmem>>, vector<1x64x64xf32>
    %get3A_366 = vector.shape_cast %get3A_365 : vector<1x64x64xf32> to vector<64x64xf32>
    %dot_general3A_367 = arith.constant dense<0.000000e+00> : vector<256x64xf32>
    %dot_general3A_368 = tpu.matmul %add3A_361, %get3A_366, %dot_general3A_367 {dimension_numbers = #tpu.dot_dimension_numbers<[1], [0], [0], [1], [0, 0, 1, 1], [], []>, transpose_lhs_hint = false} : vector<256x64xf32>, vector<64x64xf32>, vector<256x64xf32> -> vector<256x64xf32>
    %add3A_369 = arith.addf %add3A_310, %dot_general3A_368 : vector<256x64xf32>
    %slice3A_370 = vector.extract_strided_slice %select_n3A_194 {offsets = [0, 3], sizes = [4096, 1], strides = [1, 1]} : vector<4096x16xf32> to vector<4096x1xf32>
    %mul3A_371 = vector.broadcast %slice3A_370 : vector<4096x1xf32> to vector<4096x64xf32>
    %mul3A_372 = arith.mulf %concatenate3A, %mul3A_371 : vector<4096x64xf32>
    %reshape3A_373 = vector.shape_cast %mul3A_372 : vector<4096x64xf32> to vector<16x256x64xf32>
    %slice3A_374 = vector.extract_strided_slice %reshape3A_373 {offsets = [0, 0, 0], sizes = [1, 256, 64], strides = [1, 1, 1]} : vector<16x256x64xf32> to vector<1x256x64xf32>
    %squeeze3A_375 = vector.shape_cast %slice3A_374 : vector<1x256x64xf32> to vector<256x64xf32>
    %slice3A_376 = vector.extract_strided_slice %reshape3A_373 {offsets = [1, 0, 0], sizes = [1, 256, 64], strides = [1, 1, 1]} : vector<16x256x64xf32> to vector<1x256x64xf32>
    %squeeze3A_377 = vector.shape_cast %slice3A_376 : vector<1x256x64xf32> to vector<256x64xf32>
    %add3A_378 = arith.addf %squeeze3A_375, %squeeze3A_377 : vector<256x64xf32>
    %slice3A_379 = vector.extract_strided_slice %reshape3A_373 {offsets = [2, 0, 0], sizes = [1, 256, 64], strides = [1, 1, 1]} : vector<16x256x64xf32> to vector<1x256x64xf32>
    %squeeze3A_380 = vector.shape_cast %slice3A_379 : vector<1x256x64xf32> to vector<256x64xf32>
    %add3A_381 = arith.addf %add3A_378, %squeeze3A_380 : vector<256x64xf32>
    %slice3A_382 = vector.extract_strided_slice %reshape3A_373 {offsets = [3, 0, 0], sizes = [1, 256, 64], strides = [1, 1, 1]} : vector<16x256x64xf32> to vector<1x256x64xf32>
    %squeeze3A_383 = vector.shape_cast %slice3A_382 : vector<1x256x64xf32> to vector<256x64xf32>
    %add3A_384 = arith.addf %add3A_381, %squeeze3A_383 : vector<256x64xf32>
    %slice3A_385 = vector.extract_strided_slice %reshape3A_373 {offsets = [4, 0, 0], sizes = [1, 256, 64], strides = [1, 1, 1]} : vector<16x256x64xf32> to vector<1x256x64xf32>
    %squeeze3A_386 = vector.shape_cast %slice3A_385 : vector<1x256x64xf32> to vector<256x64xf32>
    %add3A_387 = arith.addf %add3A_384, %squeeze3A_386 : vector<256x64xf32>
    %slice3A_388 = vector.extract_strided_slice %reshape3A_373 {offsets = [5, 0, 0], sizes = [1, 256, 64], strides = [1, 1, 1]} : vector<16x256x64xf32> to vector<1x256x64xf32>
    %squeeze3A_389 = vector.shape_cast %slice3A_388 : vector<1x256x64xf32> to vector<256x64xf32>
    %add3A_390 = arith.addf %add3A_387, %squeeze3A_389 : vector<256x64xf32>
    %slice3A_391 = vector.extract_strided_slice %reshape3A_373 {offsets = [6, 0, 0], sizes = [1, 256, 64], strides = [1, 1, 1]} : vector<16x256x64xf32> to vector<1x256x64xf32>
    %squeeze3A_392 = vector.shape_cast %slice3A_391 : vector<1x256x64xf32> to vector<256x64xf32>
    %add3A_393 = arith.addf %add3A_390, %squeeze3A_392 : vector<256x64xf32>
    %slice3A_394 = vector.extract_strided_slice %reshape3A_373 {offsets = [7, 0, 0], sizes = [1, 256, 64], strides = [1, 1, 1]} : vector<16x256x64xf32> to vector<1x256x64xf32>
    %squeeze3A_395 = vector.shape_cast %slice3A_394 : vector<1x256x64xf32> to vector<256x64xf32>
    %add3A_396 = arith.addf %add3A_393, %squeeze3A_395 : vector<256x64xf32>
    %slice3A_397 = vector.extract_strided_slice %reshape3A_373 {offsets = [8, 0, 0], sizes = [1, 256, 64], strides = [1, 1, 1]} : vector<16x256x64xf32> to vector<1x256x64xf32>
    %squeeze3A_398 = vector.shape_cast %slice3A_397 : vector<1x256x64xf32> to vector<256x64xf32>
    %add3A_399 = arith.addf %add3A_396, %squeeze3A_398 : vector<256x64xf32>
    %slice3A_400 = vector.extract_strided_slice %reshape3A_373 {offsets = [9, 0, 0], sizes = [1, 256, 64], strides = [1, 1, 1]} : vector<16x256x64xf32> to vector<1x256x64xf32>
    %squeeze3A_401 = vector.shape_cast %slice3A_400 : vector<1x256x64xf32> to vector<256x64xf32>
    %add3A_402 = arith.addf %add3A_399, %squeeze3A_401 : vector<256x64xf32>
    %slice3A_403 = vector.extract_strided_slice %reshape3A_373 {offsets = [10, 0, 0], sizes = [1, 256, 64], strides = [1, 1, 1]} : vector<16x256x64xf32> to vector<1x256x64xf32>
    %squeeze3A_404 = vector.shape_cast %slice3A_403 : vector<1x256x64xf32> to vector<256x64xf32>
    %add3A_405 = arith.addf %add3A_402, %squeeze3A_404 : vector<256x64xf32>
    %slice3A_406 = vector.extract_strided_slice %reshape3A_373 {offsets = [11, 0, 0], sizes = [1, 256, 64], strides = [1, 1, 1]} : vector<16x256x64xf32> to vector<1x256x64xf32>
    %squeeze3A_407 = vector.shape_cast %slice3A_406 : vector<1x256x64xf32> to vector<256x64xf32>
    %add3A_408 = arith.addf %add3A_405, %squeeze3A_407 : vector<256x64xf32>
    %slice3A_409 = vector.extract_strided_slice %reshape3A_373 {offsets = [12, 0, 0], sizes = [1, 256, 64], strides = [1, 1, 1]} : vector<16x256x64xf32> to vector<1x256x64xf32>
    %squeeze3A_410 = vector.shape_cast %slice3A_409 : vector<1x256x64xf32> to vector<256x64xf32>
    %add3A_411 = arith.addf %add3A_408, %squeeze3A_410 : vector<256x64xf32>
    %slice3A_412 = vector.extract_strided_slice %reshape3A_373 {offsets = [13, 0, 0], sizes = [1, 256, 64], strides = [1, 1, 1]} : vector<16x256x64xf32> to vector<1x256x64xf32>
    %squeeze3A_413 = vector.shape_cast %slice3A_412 : vector<1x256x64xf32> to vector<256x64xf32>
    %add3A_414 = arith.addf %add3A_411, %squeeze3A_413 : vector<256x64xf32>
    %slice3A_415 = vector.extract_strided_slice %reshape3A_373 {offsets = [14, 0, 0], sizes = [1, 256, 64], strides = [1, 1, 1]} : vector<16x256x64xf32> to vector<1x256x64xf32>
    %squeeze3A_416 = vector.shape_cast %slice3A_415 : vector<1x256x64xf32> to vector<256x64xf32>
    %add3A_417 = arith.addf %add3A_414, %squeeze3A_416 : vector<256x64xf32>
    %slice3A_418 = vector.extract_strided_slice %reshape3A_373 {offsets = [15, 0, 0], sizes = [1, 256, 64], strides = [1, 1, 1]} : vector<16x256x64xf32> to vector<1x256x64xf32>
    %squeeze3A_419 = vector.shape_cast %slice3A_418 : vector<1x256x64xf32> to vector<256x64xf32>
    %add3A_420 = arith.addf %add3A_417, %squeeze3A_419 : vector<256x64xf32>
    %get3A_421 = arith.constant 3 : index
    %get3A_422 = arith.constant 0 : index
    %get3A_423 = arith.constant 0 : index
    %get3A_424 = vector.load %arg16[%get3A_421, %get3A_422, %get3A_423] : memref<16x64x64xf32, #tpu.memory_space<vmem>>, vector<1x64x64xf32>
    %get3A_425 = vector.shape_cast %get3A_424 : vector<1x64x64xf32> to vector<64x64xf32>
    %dot_general3A_426 = arith.constant dense<0.000000e+00> : vector<256x64xf32>
    %dot_general3A_427 = tpu.matmul %add3A_420, %get3A_425, %dot_general3A_426 {dimension_numbers = #tpu.dot_dimension_numbers<[1], [0], [0], [1], [0, 0, 1, 1], [], []>, transpose_lhs_hint = false} : vector<256x64xf32>, vector<64x64xf32>, vector<256x64xf32> -> vector<256x64xf32>
    %add3A_428 = arith.addf %add3A_369, %dot_general3A_427 : vector<256x64xf32>
    %slice3A_429 = vector.extract_strided_slice %select_n3A_194 {offsets = [0, 4], sizes = [4096, 1], strides = [1, 1]} : vector<4096x16xf32> to vector<4096x1xf32>
    %mul3A_430 = vector.broadcast %slice3A_429 : vector<4096x1xf32> to vector<4096x64xf32>
    %mul3A_431 = arith.mulf %concatenate3A, %mul3A_430 : vector<4096x64xf32>
    %reshape3A_432 = vector.shape_cast %mul3A_431 : vector<4096x64xf32> to vector<16x256x64xf32>
    %slice3A_433 = vector.extract_strided_slice %reshape3A_432 {offsets = [0, 0, 0], sizes = [1, 256, 64], strides = [1, 1, 1]} : vector<16x256x64xf32> to vector<1x256x64xf32>
    %squeeze3A_434 = vector.shape_cast %slice3A_433 : vector<1x256x64xf32> to vector<256x64xf32>
    %slice3A_435 = vector.extract_strided_slice %reshape3A_432 {offsets = [1, 0, 0], sizes = [1, 256, 64], strides = [1, 1, 1]} : vector<16x256x64xf32> to vector<1x256x64xf32>
    %squeeze3A_436 = vector.shape_cast %slice3A_435 : vector<1x256x64xf32> to vector<256x64xf32>
    %add3A_437 = arith.addf %squeeze3A_434, %squeeze3A_436 : vector<256x64xf32>
    %slice3A_438 = vector.extract_strided_slice %reshape3A_432 {offsets = [2, 0, 0], sizes = [1, 256, 64], strides = [1, 1, 1]} : vector<16x256x64xf32> to vector<1x256x64xf32>
    %squeeze3A_439 = vector.shape_cast %slice3A_438 : vector<1x256x64xf32> to vector<256x64xf32>
    %add3A_440 = arith.addf %add3A_437, %squeeze3A_439 : vector<256x64xf32>
    %slice3A_441 = vector.extract_strided_slice %reshape3A_432 {offsets = [3, 0, 0], sizes = [1, 256, 64], strides = [1, 1, 1]} : vector<16x256x64xf32> to vector<1x256x64xf32>
    %squeeze3A_442 = vector.shape_cast %slice3A_441 : vector<1x256x64xf32> to vector<256x64xf32>
    %add3A_443 = arith.addf %add3A_440, %squeeze3A_442 : vector<256x64xf32>
    %slice3A_444 = vector.extract_strided_slice %reshape3A_432 {offsets = [4, 0, 0], sizes = [1, 256, 64], strides = [1, 1, 1]} : vector<16x256x64xf32> to vector<1x256x64xf32>
    %squeeze3A_445 = vector.shape_cast %slice3A_444 : vector<1x256x64xf32> to vector<256x64xf32>
    %add3A_446 = arith.addf %add3A_443, %squeeze3A_445 : vector<256x64xf32>
    %slice3A_447 = vector.extract_strided_slice %reshape3A_432 {offsets = [5, 0, 0], sizes = [1, 256, 64], strides = [1, 1, 1]} : vector<16x256x64xf32> to vector<1x256x64xf32>
    %squeeze3A_448 = vector.shape_cast %slice3A_447 : vector<1x256x64xf32> to vector<256x64xf32>
    %add3A_449 = arith.addf %add3A_446, %squeeze3A_448 : vector<256x64xf32>
    %slice3A_450 = vector.extract_strided_slice %reshape3A_432 {offsets = [6, 0, 0], sizes = [1, 256, 64], strides = [1, 1, 1]} : vector<16x256x64xf32> to vector<1x256x64xf32>
    %squeeze3A_451 = vector.shape_cast %slice3A_450 : vector<1x256x64xf32> to vector<256x64xf32>
    %add3A_452 = arith.addf %add3A_449, %squeeze3A_451 : vector<256x64xf32>
    %slice3A_453 = vector.extract_strided_slice %reshape3A_432 {offsets = [7, 0, 0], sizes = [1, 256, 64], strides = [1, 1, 1]} : vector<16x256x64xf32> to vector<1x256x64xf32>
    %squeeze3A_454 = vector.shape_cast %slice3A_453 : vector<1x256x64xf32> to vector<256x64xf32>
    %add3A_455 = arith.addf %add3A_452, %squeeze3A_454 : vector<256x64xf32>
    %slice3A_456 = vector.extract_strided_slice %reshape3A_432 {offsets = [8, 0, 0], sizes = [1, 256, 64], strides = [1, 1, 1]} : vector<16x256x64xf32> to vector<1x256x64xf32>
    %squeeze3A_457 = vector.shape_cast %slice3A_456 : vector<1x256x64xf32> to vector<256x64xf32>
    %add3A_458 = arith.addf %add3A_455, %squeeze3A_457 : vector<256x64xf32>
    %slice3A_459 = vector.extract_strided_slice %reshape3A_432 {offsets = [9, 0, 0], sizes = [1, 256, 64], strides = [1, 1, 1]} : vector<16x256x64xf32> to vector<1x256x64xf32>
    %squeeze3A_460 = vector.shape_cast %slice3A_459 : vector<1x256x64xf32> to vector<256x64xf32>
    %add3A_461 = arith.addf %add3A_458, %squeeze3A_460 : vector<256x64xf32>
    %slice3A_462 = vector.extract_strided_slice %reshape3A_432 {offsets = [10, 0, 0], sizes = [1, 256, 64], strides = [1, 1, 1]} : vector<16x256x64xf32> to vector<1x256x64xf32>
    %squeeze3A_463 = vector.shape_cast %slice3A_462 : vector<1x256x64xf32> to vector<256x64xf32>
    %add3A_464 = arith.addf %add3A_461, %squeeze3A_463 : vector<256x64xf32>
    %slice3A_465 = vector.extract_strided_slice %reshape3A_432 {offsets = [11, 0, 0], sizes = [1, 256, 64], strides = [1, 1, 1]} : vector<16x256x64xf32> to vector<1x256x64xf32>
    %squeeze3A_466 = vector.shape_cast %slice3A_465 : vector<1x256x64xf32> to vector<256x64xf32>
    %add3A_467 = arith.addf %add3A_464, %squeeze3A_466 : vector<256x64xf32>
    %slice3A_468 = vector.extract_strided_slice %reshape3A_432 {offsets = [12, 0, 0], sizes = [1, 256, 64], strides = [1, 1, 1]} : vector<16x256x64xf32> to vector<1x256x64xf32>
    %squeeze3A_469 = vector.shape_cast %slice3A_468 : vector<1x256x64xf32> to vector<256x64xf32>
    %add3A_470 = arith.addf %add3A_467, %squeeze3A_469 : vector<256x64xf32>
    %slice3A_471 = vector.extract_strided_slice %reshape3A_432 {offsets = [13, 0, 0], sizes = [1, 256, 64], strides = [1, 1, 1]} : vector<16x256x64xf32> to vector<1x256x64xf32>
    %squeeze3A_472 = vector.shape_cast %slice3A_471 : vector<1x256x64xf32> to vector<256x64xf32>
    %add3A_473 = arith.addf %add3A_470, %squeeze3A_472 : vector<256x64xf32>
    %slice3A_474 = vector.extract_strided_slice %reshape3A_432 {offsets = [14, 0, 0], sizes = [1, 256, 64], strides = [1, 1, 1]} : vector<16x256x64xf32> to vector<1x256x64xf32>
    %squeeze3A_475 = vector.shape_cast %slice3A_474 : vector<1x256x64xf32> to vector<256x64xf32>
    %add3A_476 = arith.addf %add3A_473, %squeeze3A_475 : vector<256x64xf32>
    %slice3A_477 = vector.extract_strided_slice %reshape3A_432 {offsets = [15, 0, 0], sizes = [1, 256, 64], strides = [1, 1, 1]} : vector<16x256x64xf32> to vector<1x256x64xf32>
    %squeeze3A_478 = vector.shape_cast %slice3A_477 : vector<1x256x64xf32> to vector<256x64xf32>
    %add3A_479 = arith.addf %add3A_476, %squeeze3A_478 : vector<256x64xf32>
    %get3A_480 = arith.constant 4 : index
    %get3A_481 = arith.constant 0 : index
    %get3A_482 = arith.constant 0 : index
    %get3A_483 = vector.load %arg16[%get3A_480, %get3A_481, %get3A_482] : memref<16x64x64xf32, #tpu.memory_space<vmem>>, vector<1x64x64xf32>
    %get3A_484 = vector.shape_cast %get3A_483 : vector<1x64x64xf32> to vector<64x64xf32>
    %dot_general3A_485 = arith.constant dense<0.000000e+00> : vector<256x64xf32>
    %dot_general3A_486 = tpu.matmul %add3A_479, %get3A_484, %dot_general3A_485 {dimension_numbers = #tpu.dot_dimension_numbers<[1], [0], [0], [1], [0, 0, 1, 1], [], []>, transpose_lhs_hint = false} : vector<256x64xf32>, vector<64x64xf32>, vector<256x64xf32> -> vector<256x64xf32>
    %add3A_487 = arith.addf %add3A_428, %dot_general3A_486 : vector<256x64xf32>
    %slice3A_488 = vector.extract_strided_slice %select_n3A_194 {offsets = [0, 5], sizes = [4096, 1], strides = [1, 1]} : vector<4096x16xf32> to vector<4096x1xf32>
    %mul3A_489 = vector.broadcast %slice3A_488 : vector<4096x1xf32> to vector<4096x64xf32>
    %mul3A_490 = arith.mulf %concatenate3A, %mul3A_489 : vector<4096x64xf32>
    %reshape3A_491 = vector.shape_cast %mul3A_490 : vector<4096x64xf32> to vector<16x256x64xf32>
    %slice3A_492 = vector.extract_strided_slice %reshape3A_491 {offsets = [0, 0, 0], sizes = [1, 256, 64], strides = [1, 1, 1]} : vector<16x256x64xf32> to vector<1x256x64xf32>
    %squeeze3A_493 = vector.shape_cast %slice3A_492 : vector<1x256x64xf32> to vector<256x64xf32>
    %slice3A_494 = vector.extract_strided_slice %reshape3A_491 {offsets = [1, 0, 0], sizes = [1, 256, 64], strides = [1, 1, 1]} : vector<16x256x64xf32> to vector<1x256x64xf32>
    %squeeze3A_495 = vector.shape_cast %slice3A_494 : vector<1x256x64xf32> to vector<256x64xf32>
    %add3A_496 = arith.addf %squeeze3A_493, %squeeze3A_495 : vector<256x64xf32>
    %slice3A_497 = vector.extract_strided_slice %reshape3A_491 {offsets = [2, 0, 0], sizes = [1, 256, 64], strides = [1, 1, 1]} : vector<16x256x64xf32> to vector<1x256x64xf32>
    %squeeze3A_498 = vector.shape_cast %slice3A_497 : vector<1x256x64xf32> to vector<256x64xf32>
    %add3A_499 = arith.addf %add3A_496, %squeeze3A_498 : vector<256x64xf32>
    %slice3A_500 = vector.extract_strided_slice %reshape3A_491 {offsets = [3, 0, 0], sizes = [1, 256, 64], strides = [1, 1, 1]} : vector<16x256x64xf32> to vector<1x256x64xf32>
    %squeeze3A_501 = vector.shape_cast %slice3A_500 : vector<1x256x64xf32> to vector<256x64xf32>
    %add3A_502 = arith.addf %add3A_499, %squeeze3A_501 : vector<256x64xf32>
    %slice3A_503 = vector.extract_strided_slice %reshape3A_491 {offsets = [4, 0, 0], sizes = [1, 256, 64], strides = [1, 1, 1]} : vector<16x256x64xf32> to vector<1x256x64xf32>
    %squeeze3A_504 = vector.shape_cast %slice3A_503 : vector<1x256x64xf32> to vector<256x64xf32>
    %add3A_505 = arith.addf %add3A_502, %squeeze3A_504 : vector<256x64xf32>
    %slice3A_506 = vector.extract_strided_slice %reshape3A_491 {offsets = [5, 0, 0], sizes = [1, 256, 64], strides = [1, 1, 1]} : vector<16x256x64xf32> to vector<1x256x64xf32>
    %squeeze3A_507 = vector.shape_cast %slice3A_506 : vector<1x256x64xf32> to vector<256x64xf32>
    %add3A_508 = arith.addf %add3A_505, %squeeze3A_507 : vector<256x64xf32>
    %slice3A_509 = vector.extract_strided_slice %reshape3A_491 {offsets = [6, 0, 0], sizes = [1, 256, 64], strides = [1, 1, 1]} : vector<16x256x64xf32> to vector<1x256x64xf32>
    %squeeze3A_510 = vector.shape_cast %slice3A_509 : vector<1x256x64xf32> to vector<256x64xf32>
    %add3A_511 = arith.addf %add3A_508, %squeeze3A_510 : vector<256x64xf32>
    %slice3A_512 = vector.extract_strided_slice %reshape3A_491 {offsets = [7, 0, 0], sizes = [1, 256, 64], strides = [1, 1, 1]} : vector<16x256x64xf32> to vector<1x256x64xf32>
    %squeeze3A_513 = vector.shape_cast %slice3A_512 : vector<1x256x64xf32> to vector<256x64xf32>
    %add3A_514 = arith.addf %add3A_511, %squeeze3A_513 : vector<256x64xf32>
    %slice3A_515 = vector.extract_strided_slice %reshape3A_491 {offsets = [8, 0, 0], sizes = [1, 256, 64], strides = [1, 1, 1]} : vector<16x256x64xf32> to vector<1x256x64xf32>
    %squeeze3A_516 = vector.shape_cast %slice3A_515 : vector<1x256x64xf32> to vector<256x64xf32>
    %add3A_517 = arith.addf %add3A_514, %squeeze3A_516 : vector<256x64xf32>
    %slice3A_518 = vector.extract_strided_slice %reshape3A_491 {offsets = [9, 0, 0], sizes = [1, 256, 64], strides = [1, 1, 1]} : vector<16x256x64xf32> to vector<1x256x64xf32>
    %squeeze3A_519 = vector.shape_cast %slice3A_518 : vector<1x256x64xf32> to vector<256x64xf32>
    %add3A_520 = arith.addf %add3A_517, %squeeze3A_519 : vector<256x64xf32>
    %slice3A_521 = vector.extract_strided_slice %reshape3A_491 {offsets = [10, 0, 0], sizes = [1, 256, 64], strides = [1, 1, 1]} : vector<16x256x64xf32> to vector<1x256x64xf32>
    %squeeze3A_522 = vector.shape_cast %slice3A_521 : vector<1x256x64xf32> to vector<256x64xf32>
    %add3A_523 = arith.addf %add3A_520, %squeeze3A_522 : vector<256x64xf32>
    %slice3A_524 = vector.extract_strided_slice %reshape3A_491 {offsets = [11, 0, 0], sizes = [1, 256, 64], strides = [1, 1, 1]} : vector<16x256x64xf32> to vector<1x256x64xf32>
    %squeeze3A_525 = vector.shape_cast %slice3A_524 : vector<1x256x64xf32> to vector<256x64xf32>
    %add3A_526 = arith.addf %add3A_523, %squeeze3A_525 : vector<256x64xf32>
    %slice3A_527 = vector.extract_strided_slice %reshape3A_491 {offsets = [12, 0, 0], sizes = [1, 256, 64], strides = [1, 1, 1]} : vector<16x256x64xf32> to vector<1x256x64xf32>
    %squeeze3A_528 = vector.shape_cast %slice3A_527 : vector<1x256x64xf32> to vector<256x64xf32>
    %add3A_529 = arith.addf %add3A_526, %squeeze3A_528 : vector<256x64xf32>
    %slice3A_530 = vector.extract_strided_slice %reshape3A_491 {offsets = [13, 0, 0], sizes = [1, 256, 64], strides = [1, 1, 1]} : vector<16x256x64xf32> to vector<1x256x64xf32>
    %squeeze3A_531 = vector.shape_cast %slice3A_530 : vector<1x256x64xf32> to vector<256x64xf32>
    %add3A_532 = arith.addf %add3A_529, %squeeze3A_531 : vector<256x64xf32>
    %slice3A_533 = vector.extract_strided_slice %reshape3A_491 {offsets = [14, 0, 0], sizes = [1, 256, 64], strides = [1, 1, 1]} : vector<16x256x64xf32> to vector<1x256x64xf32>
    %squeeze3A_534 = vector.shape_cast %slice3A_533 : vector<1x256x64xf32> to vector<256x64xf32>
    %add3A_535 = arith.addf %add3A_532, %squeeze3A_534 : vector<256x64xf32>
    %slice3A_536 = vector.extract_strided_slice %reshape3A_491 {offsets = [15, 0, 0], sizes = [1, 256, 64], strides = [1, 1, 1]} : vector<16x256x64xf32> to vector<1x256x64xf32>
    %squeeze3A_537 = vector.shape_cast %slice3A_536 : vector<1x256x64xf32> to vector<256x64xf32>
    %add3A_538 = arith.addf %add3A_535, %squeeze3A_537 : vector<256x64xf32>
    %get3A_539 = arith.constant 5 : index
    %get3A_540 = arith.constant 0 : index
    %get3A_541 = arith.constant 0 : index
    %get3A_542 = vector.load %arg16[%get3A_539, %get3A_540, %get3A_541] : memref<16x64x64xf32, #tpu.memory_space<vmem>>, vector<1x64x64xf32>
    %get3A_543 = vector.shape_cast %get3A_542 : vector<1x64x64xf32> to vector<64x64xf32>
    %dot_general3A_544 = arith.constant dense<0.000000e+00> : vector<256x64xf32>
    %dot_general3A_545 = tpu.matmul %add3A_538, %get3A_543, %dot_general3A_544 {dimension_numbers = #tpu.dot_dimension_numbers<[1], [0], [0], [1], [0, 0, 1, 1], [], []>, transpose_lhs_hint = false} : vector<256x64xf32>, vector<64x64xf32>, vector<256x64xf32> -> vector<256x64xf32>
    %add3A_546 = arith.addf %add3A_487, %dot_general3A_545 : vector<256x64xf32>
    %slice3A_547 = vector.extract_strided_slice %select_n3A_194 {offsets = [0, 6], sizes = [4096, 1], strides = [1, 1]} : vector<4096x16xf32> to vector<4096x1xf32>
    %mul3A_548 = vector.broadcast %slice3A_547 : vector<4096x1xf32> to vector<4096x64xf32>
    %mul3A_549 = arith.mulf %concatenate3A, %mul3A_548 : vector<4096x64xf32>
    %reshape3A_550 = vector.shape_cast %mul3A_549 : vector<4096x64xf32> to vector<16x256x64xf32>
    %slice3A_551 = vector.extract_strided_slice %reshape3A_550 {offsets = [0, 0, 0], sizes = [1, 256, 64], strides = [1, 1, 1]} : vector<16x256x64xf32> to vector<1x256x64xf32>
    %squeeze3A_552 = vector.shape_cast %slice3A_551 : vector<1x256x64xf32> to vector<256x64xf32>
    %slice3A_553 = vector.extract_strided_slice %reshape3A_550 {offsets = [1, 0, 0], sizes = [1, 256, 64], strides = [1, 1, 1]} : vector<16x256x64xf32> to vector<1x256x64xf32>
    %squeeze3A_554 = vector.shape_cast %slice3A_553 : vector<1x256x64xf32> to vector<256x64xf32>
    %add3A_555 = arith.addf %squeeze3A_552, %squeeze3A_554 : vector<256x64xf32>
    %slice3A_556 = vector.extract_strided_slice %reshape3A_550 {offsets = [2, 0, 0], sizes = [1, 256, 64], strides = [1, 1, 1]} : vector<16x256x64xf32> to vector<1x256x64xf32>
    %squeeze3A_557 = vector.shape_cast %slice3A_556 : vector<1x256x64xf32> to vector<256x64xf32>
    %add3A_558 = arith.addf %add3A_555, %squeeze3A_557 : vector<256x64xf32>
    %slice3A_559 = vector.extract_strided_slice %reshape3A_550 {offsets = [3, 0, 0], sizes = [1, 256, 64], strides = [1, 1, 1]} : vector<16x256x64xf32> to vector<1x256x64xf32>
    %squeeze3A_560 = vector.shape_cast %slice3A_559 : vector<1x256x64xf32> to vector<256x64xf32>
    %add3A_561 = arith.addf %add3A_558, %squeeze3A_560 : vector<256x64xf32>
    %slice3A_562 = vector.extract_strided_slice %reshape3A_550 {offsets = [4, 0, 0], sizes = [1, 256, 64], strides = [1, 1, 1]} : vector<16x256x64xf32> to vector<1x256x64xf32>
    %squeeze3A_563 = vector.shape_cast %slice3A_562 : vector<1x256x64xf32> to vector<256x64xf32>
    %add3A_564 = arith.addf %add3A_561, %squeeze3A_563 : vector<256x64xf32>
    %slice3A_565 = vector.extract_strided_slice %reshape3A_550 {offsets = [5, 0, 0], sizes = [1, 256, 64], strides = [1, 1, 1]} : vector<16x256x64xf32> to vector<1x256x64xf32>
    %squeeze3A_566 = vector.shape_cast %slice3A_565 : vector<1x256x64xf32> to vector<256x64xf32>
    %add3A_567 = arith.addf %add3A_564, %squeeze3A_566 : vector<256x64xf32>
    %slice3A_568 = vector.extract_strided_slice %reshape3A_550 {offsets = [6, 0, 0], sizes = [1, 256, 64], strides = [1, 1, 1]} : vector<16x256x64xf32> to vector<1x256x64xf32>
    %squeeze3A_569 = vector.shape_cast %slice3A_568 : vector<1x256x64xf32> to vector<256x64xf32>
    %add3A_570 = arith.addf %add3A_567, %squeeze3A_569 : vector<256x64xf32>
    %slice3A_571 = vector.extract_strided_slice %reshape3A_550 {offsets = [7, 0, 0], sizes = [1, 256, 64], strides = [1, 1, 1]} : vector<16x256x64xf32> to vector<1x256x64xf32>
    %squeeze3A_572 = vector.shape_cast %slice3A_571 : vector<1x256x64xf32> to vector<256x64xf32>
    %add3A_573 = arith.addf %add3A_570, %squeeze3A_572 : vector<256x64xf32>
    %slice3A_574 = vector.extract_strided_slice %reshape3A_550 {offsets = [8, 0, 0], sizes = [1, 256, 64], strides = [1, 1, 1]} : vector<16x256x64xf32> to vector<1x256x64xf32>
    %squeeze3A_575 = vector.shape_cast %slice3A_574 : vector<1x256x64xf32> to vector<256x64xf32>
    %add3A_576 = arith.addf %add3A_573, %squeeze3A_575 : vector<256x64xf32>
    %slice3A_577 = vector.extract_strided_slice %reshape3A_550 {offsets = [9, 0, 0], sizes = [1, 256, 64], strides = [1, 1, 1]} : vector<16x256x64xf32> to vector<1x256x64xf32>
    %squeeze3A_578 = vector.shape_cast %slice3A_577 : vector<1x256x64xf32> to vector<256x64xf32>
    %add3A_579 = arith.addf %add3A_576, %squeeze3A_578 : vector<256x64xf32>
    %slice3A_580 = vector.extract_strided_slice %reshape3A_550 {offsets = [10, 0, 0], sizes = [1, 256, 64], strides = [1, 1, 1]} : vector<16x256x64xf32> to vector<1x256x64xf32>
    %squeeze3A_581 = vector.shape_cast %slice3A_580 : vector<1x256x64xf32> to vector<256x64xf32>
    %add3A_582 = arith.addf %add3A_579, %squeeze3A_581 : vector<256x64xf32>
    %slice3A_583 = vector.extract_strided_slice %reshape3A_550 {offsets = [11, 0, 0], sizes = [1, 256, 64], strides = [1, 1, 1]} : vector<16x256x64xf32> to vector<1x256x64xf32>
    %squeeze3A_584 = vector.shape_cast %slice3A_583 : vector<1x256x64xf32> to vector<256x64xf32>
    %add3A_585 = arith.addf %add3A_582, %squeeze3A_584 : vector<256x64xf32>
    %slice3A_586 = vector.extract_strided_slice %reshape3A_550 {offsets = [12, 0, 0], sizes = [1, 256, 64], strides = [1, 1, 1]} : vector<16x256x64xf32> to vector<1x256x64xf32>
    %squeeze3A_587 = vector.shape_cast %slice3A_586 : vector<1x256x64xf32> to vector<256x64xf32>
    %add3A_588 = arith.addf %add3A_585, %squeeze3A_587 : vector<256x64xf32>
    %slice3A_589 = vector.extract_strided_slice %reshape3A_550 {offsets = [13, 0, 0], sizes = [1, 256, 64], strides = [1, 1, 1]} : vector<16x256x64xf32> to vector<1x256x64xf32>
    %squeeze3A_590 = vector.shape_cast %slice3A_589 : vector<1x256x64xf32> to vector<256x64xf32>
    %add3A_591 = arith.addf %add3A_588, %squeeze3A_590 : vector<256x64xf32>
    %slice3A_592 = vector.extract_strided_slice %reshape3A_550 {offsets = [14, 0, 0], sizes = [1, 256, 64], strides = [1, 1, 1]} : vector<16x256x64xf32> to vector<1x256x64xf32>
    %squeeze3A_593 = vector.shape_cast %slice3A_592 : vector<1x256x64xf32> to vector<256x64xf32>
    %add3A_594 = arith.addf %add3A_591, %squeeze3A_593 : vector<256x64xf32>
    %slice3A_595 = vector.extract_strided_slice %reshape3A_550 {offsets = [15, 0, 0], sizes = [1, 256, 64], strides = [1, 1, 1]} : vector<16x256x64xf32> to vector<1x256x64xf32>
    %squeeze3A_596 = vector.shape_cast %slice3A_595 : vector<1x256x64xf32> to vector<256x64xf32>
    %add3A_597 = arith.addf %add3A_594, %squeeze3A_596 : vector<256x64xf32>
    %get3A_598 = arith.constant 6 : index
    %get3A_599 = arith.constant 0 : index
    %get3A_600 = arith.constant 0 : index
    %get3A_601 = vector.load %arg16[%get3A_598, %get3A_599, %get3A_600] : memref<16x64x64xf32, #tpu.memory_space<vmem>>, vector<1x64x64xf32>
    %get3A_602 = vector.shape_cast %get3A_601 : vector<1x64x64xf32> to vector<64x64xf32>
    %dot_general3A_603 = arith.constant dense<0.000000e+00> : vector<256x64xf32>
    %dot_general3A_604 = tpu.matmul %add3A_597, %get3A_602, %dot_general3A_603 {dimension_numbers = #tpu.dot_dimension_numbers<[1], [0], [0], [1], [0, 0, 1, 1], [], []>, transpose_lhs_hint = false} : vector<256x64xf32>, vector<64x64xf32>, vector<256x64xf32> -> vector<256x64xf32>
    %add3A_605 = arith.addf %add3A_546, %dot_general3A_604 : vector<256x64xf32>
    %slice3A_606 = vector.extract_strided_slice %select_n3A_194 {offsets = [0, 7], sizes = [4096, 1], strides = [1, 1]} : vector<4096x16xf32> to vector<4096x1xf32>
    %mul3A_607 = vector.broadcast %slice3A_606 : vector<4096x1xf32> to vector<4096x64xf32>
    %mul3A_608 = arith.mulf %concatenate3A, %mul3A_607 : vector<4096x64xf32>
    %reshape3A_609 = vector.shape_cast %mul3A_608 : vector<4096x64xf32> to vector<16x256x64xf32>
    %slice3A_610 = vector.extract_strided_slice %reshape3A_609 {offsets = [0, 0, 0], sizes = [1, 256, 64], strides = [1, 1, 1]} : vector<16x256x64xf32> to vector<1x256x64xf32>
    %squeeze3A_611 = vector.shape_cast %slice3A_610 : vector<1x256x64xf32> to vector<256x64xf32>
    %slice3A_612 = vector.extract_strided_slice %reshape3A_609 {offsets = [1, 0, 0], sizes = [1, 256, 64], strides = [1, 1, 1]} : vector<16x256x64xf32> to vector<1x256x64xf32>
    %squeeze3A_613 = vector.shape_cast %slice3A_612 : vector<1x256x64xf32> to vector<256x64xf32>
    %add3A_614 = arith.addf %squeeze3A_611, %squeeze3A_613 : vector<256x64xf32>
    %slice3A_615 = vector.extract_strided_slice %reshape3A_609 {offsets = [2, 0, 0], sizes = [1, 256, 64], strides = [1, 1, 1]} : vector<16x256x64xf32> to vector<1x256x64xf32>
    %squeeze3A_616 = vector.shape_cast %slice3A_615 : vector<1x256x64xf32> to vector<256x64xf32>
    %add3A_617 = arith.addf %add3A_614, %squeeze3A_616 : vector<256x64xf32>
    %slice3A_618 = vector.extract_strided_slice %reshape3A_609 {offsets = [3, 0, 0], sizes = [1, 256, 64], strides = [1, 1, 1]} : vector<16x256x64xf32> to vector<1x256x64xf32>
    %squeeze3A_619 = vector.shape_cast %slice3A_618 : vector<1x256x64xf32> to vector<256x64xf32>
    %add3A_620 = arith.addf %add3A_617, %squeeze3A_619 : vector<256x64xf32>
    %slice3A_621 = vector.extract_strided_slice %reshape3A_609 {offsets = [4, 0, 0], sizes = [1, 256, 64], strides = [1, 1, 1]} : vector<16x256x64xf32> to vector<1x256x64xf32>
    %squeeze3A_622 = vector.shape_cast %slice3A_621 : vector<1x256x64xf32> to vector<256x64xf32>
    %add3A_623 = arith.addf %add3A_620, %squeeze3A_622 : vector<256x64xf32>
    %slice3A_624 = vector.extract_strided_slice %reshape3A_609 {offsets = [5, 0, 0], sizes = [1, 256, 64], strides = [1, 1, 1]} : vector<16x256x64xf32> to vector<1x256x64xf32>
    %squeeze3A_625 = vector.shape_cast %slice3A_624 : vector<1x256x64xf32> to vector<256x64xf32>
    %add3A_626 = arith.addf %add3A_623, %squeeze3A_625 : vector<256x64xf32>
    %slice3A_627 = vector.extract_strided_slice %reshape3A_609 {offsets = [6, 0, 0], sizes = [1, 256, 64], strides = [1, 1, 1]} : vector<16x256x64xf32> to vector<1x256x64xf32>
    %squeeze3A_628 = vector.shape_cast %slice3A_627 : vector<1x256x64xf32> to vector<256x64xf32>
    %add3A_629 = arith.addf %add3A_626, %squeeze3A_628 : vector<256x64xf32>
    %slice3A_630 = vector.extract_strided_slice %reshape3A_609 {offsets = [7, 0, 0], sizes = [1, 256, 64], strides = [1, 1, 1]} : vector<16x256x64xf32> to vector<1x256x64xf32>
    %squeeze3A_631 = vector.shape_cast %slice3A_630 : vector<1x256x64xf32> to vector<256x64xf32>
    %add3A_632 = arith.addf %add3A_629, %squeeze3A_631 : vector<256x64xf32>
    %slice3A_633 = vector.extract_strided_slice %reshape3A_609 {offsets = [8, 0, 0], sizes = [1, 256, 64], strides = [1, 1, 1]} : vector<16x256x64xf32> to vector<1x256x64xf32>
    %squeeze3A_634 = vector.shape_cast %slice3A_633 : vector<1x256x64xf32> to vector<256x64xf32>
    %add3A_635 = arith.addf %add3A_632, %squeeze3A_634 : vector<256x64xf32>
    %slice3A_636 = vector.extract_strided_slice %reshape3A_609 {offsets = [9, 0, 0], sizes = [1, 256, 64], strides = [1, 1, 1]} : vector<16x256x64xf32> to vector<1x256x64xf32>
    %squeeze3A_637 = vector.shape_cast %slice3A_636 : vector<1x256x64xf32> to vector<256x64xf32>
    %add3A_638 = arith.addf %add3A_635, %squeeze3A_637 : vector<256x64xf32>
    %slice3A_639 = vector.extract_strided_slice %reshape3A_609 {offsets = [10, 0, 0], sizes = [1, 256, 64], strides = [1, 1, 1]} : vector<16x256x64xf32> to vector<1x256x64xf32>
    %squeeze3A_640 = vector.shape_cast %slice3A_639 : vector<1x256x64xf32> to vector<256x64xf32>
    %add3A_641 = arith.addf %add3A_638, %squeeze3A_640 : vector<256x64xf32>
    %slice3A_642 = vector.extract_strided_slice %reshape3A_609 {offsets = [11, 0, 0], sizes = [1, 256, 64], strides = [1, 1, 1]} : vector<16x256x64xf32> to vector<1x256x64xf32>
    %squeeze3A_643 = vector.shape_cast %slice3A_642 : vector<1x256x64xf32> to vector<256x64xf32>
    %add3A_644 = arith.addf %add3A_641, %squeeze3A_643 : vector<256x64xf32>
    %slice3A_645 = vector.extract_strided_slice %reshape3A_609 {offsets = [12, 0, 0], sizes = [1, 256, 64], strides = [1, 1, 1]} : vector<16x256x64xf32> to vector<1x256x64xf32>
    %squeeze3A_646 = vector.shape_cast %slice3A_645 : vector<1x256x64xf32> to vector<256x64xf32>
    %add3A_647 = arith.addf %add3A_644, %squeeze3A_646 : vector<256x64xf32>
    %slice3A_648 = vector.extract_strided_slice %reshape3A_609 {offsets = [13, 0, 0], sizes = [1, 256, 64], strides = [1, 1, 1]} : vector<16x256x64xf32> to vector<1x256x64xf32>
    %squeeze3A_649 = vector.shape_cast %slice3A_648 : vector<1x256x64xf32> to vector<256x64xf32>
    %add3A_650 = arith.addf %add3A_647, %squeeze3A_649 : vector<256x64xf32>
    %slice3A_651 = vector.extract_strided_slice %reshape3A_609 {offsets = [14, 0, 0], sizes = [1, 256, 64], strides = [1, 1, 1]} : vector<16x256x64xf32> to vector<1x256x64xf32>
    %squeeze3A_652 = vector.shape_cast %slice3A_651 : vector<1x256x64xf32> to vector<256x64xf32>
    %add3A_653 = arith.addf %add3A_650, %squeeze3A_652 : vector<256x64xf32>
    %slice3A_654 = vector.extract_strided_slice %reshape3A_609 {offsets = [15, 0, 0], sizes = [1, 256, 64], strides = [1, 1, 1]} : vector<16x256x64xf32> to vector<1x256x64xf32>
    %squeeze3A_655 = vector.shape_cast %slice3A_654 : vector<1x256x64xf32> to vector<256x64xf32>
    %add3A_656 = arith.addf %add3A_653, %squeeze3A_655 : vector<256x64xf32>
    %get3A_657 = arith.constant 7 : index
    %get3A_658 = arith.constant 0 : index
    %get3A_659 = arith.constant 0 : index
    %get3A_660 = vector.load %arg16[%get3A_657, %get3A_658, %get3A_659] : memref<16x64x64xf32, #tpu.memory_space<vmem>>, vector<1x64x64xf32>
    %get3A_661 = vector.shape_cast %get3A_660 : vector<1x64x64xf32> to vector<64x64xf32>
    %dot_general3A_662 = arith.constant dense<0.000000e+00> : vector<256x64xf32>
    %dot_general3A_663 = tpu.matmul %add3A_656, %get3A_661, %dot_general3A_662 {dimension_numbers = #tpu.dot_dimension_numbers<[1], [0], [0], [1], [0, 0, 1, 1], [], []>, transpose_lhs_hint = false} : vector<256x64xf32>, vector<64x64xf32>, vector<256x64xf32> -> vector<256x64xf32>
    %add3A_664 = arith.addf %add3A_605, %dot_general3A_663 : vector<256x64xf32>
    %slice3A_665 = vector.extract_strided_slice %select_n3A_194 {offsets = [0, 8], sizes = [4096, 1], strides = [1, 1]} : vector<4096x16xf32> to vector<4096x1xf32>
    %mul3A_666 = vector.broadcast %slice3A_665 : vector<4096x1xf32> to vector<4096x64xf32>
    %mul3A_667 = arith.mulf %concatenate3A, %mul3A_666 : vector<4096x64xf32>
    %reshape3A_668 = vector.shape_cast %mul3A_667 : vector<4096x64xf32> to vector<16x256x64xf32>
    %slice3A_669 = vector.extract_strided_slice %reshape3A_668 {offsets = [0, 0, 0], sizes = [1, 256, 64], strides = [1, 1, 1]} : vector<16x256x64xf32> to vector<1x256x64xf32>
    %squeeze3A_670 = vector.shape_cast %slice3A_669 : vector<1x256x64xf32> to vector<256x64xf32>
    %slice3A_671 = vector.extract_strided_slice %reshape3A_668 {offsets = [1, 0, 0], sizes = [1, 256, 64], strides = [1, 1, 1]} : vector<16x256x64xf32> to vector<1x256x64xf32>
    %squeeze3A_672 = vector.shape_cast %slice3A_671 : vector<1x256x64xf32> to vector<256x64xf32>
    %add3A_673 = arith.addf %squeeze3A_670, %squeeze3A_672 : vector<256x64xf32>
    %slice3A_674 = vector.extract_strided_slice %reshape3A_668 {offsets = [2, 0, 0], sizes = [1, 256, 64], strides = [1, 1, 1]} : vector<16x256x64xf32> to vector<1x256x64xf32>
    %squeeze3A_675 = vector.shape_cast %slice3A_674 : vector<1x256x64xf32> to vector<256x64xf32>
    %add3A_676 = arith.addf %add3A_673, %squeeze3A_675 : vector<256x64xf32>
    %slice3A_677 = vector.extract_strided_slice %reshape3A_668 {offsets = [3, 0, 0], sizes = [1, 256, 64], strides = [1, 1, 1]} : vector<16x256x64xf32> to vector<1x256x64xf32>
    %squeeze3A_678 = vector.shape_cast %slice3A_677 : vector<1x256x64xf32> to vector<256x64xf32>
    %add3A_679 = arith.addf %add3A_676, %squeeze3A_678 : vector<256x64xf32>
    %slice3A_680 = vector.extract_strided_slice %reshape3A_668 {offsets = [4, 0, 0], sizes = [1, 256, 64], strides = [1, 1, 1]} : vector<16x256x64xf32> to vector<1x256x64xf32>
    %squeeze3A_681 = vector.shape_cast %slice3A_680 : vector<1x256x64xf32> to vector<256x64xf32>
    %add3A_682 = arith.addf %add3A_679, %squeeze3A_681 : vector<256x64xf32>
    %slice3A_683 = vector.extract_strided_slice %reshape3A_668 {offsets = [5, 0, 0], sizes = [1, 256, 64], strides = [1, 1, 1]} : vector<16x256x64xf32> to vector<1x256x64xf32>
    %squeeze3A_684 = vector.shape_cast %slice3A_683 : vector<1x256x64xf32> to vector<256x64xf32>
    %add3A_685 = arith.addf %add3A_682, %squeeze3A_684 : vector<256x64xf32>
    %slice3A_686 = vector.extract_strided_slice %reshape3A_668 {offsets = [6, 0, 0], sizes = [1, 256, 64], strides = [1, 1, 1]} : vector<16x256x64xf32> to vector<1x256x64xf32>
    %squeeze3A_687 = vector.shape_cast %slice3A_686 : vector<1x256x64xf32> to vector<256x64xf32>
    %add3A_688 = arith.addf %add3A_685, %squeeze3A_687 : vector<256x64xf32>
    %slice3A_689 = vector.extract_strided_slice %reshape3A_668 {offsets = [7, 0, 0], sizes = [1, 256, 64], strides = [1, 1, 1]} : vector<16x256x64xf32> to vector<1x256x64xf32>
    %squeeze3A_690 = vector.shape_cast %slice3A_689 : vector<1x256x64xf32> to vector<256x64xf32>
    %add3A_691 = arith.addf %add3A_688, %squeeze3A_690 : vector<256x64xf32>
    %slice3A_692 = vector.extract_strided_slice %reshape3A_668 {offsets = [8, 0, 0], sizes = [1, 256, 64], strides = [1, 1, 1]} : vector<16x256x64xf32> to vector<1x256x64xf32>
    %squeeze3A_693 = vector.shape_cast %slice3A_692 : vector<1x256x64xf32> to vector<256x64xf32>
    %add3A_694 = arith.addf %add3A_691, %squeeze3A_693 : vector<256x64xf32>
    %slice3A_695 = vector.extract_strided_slice %reshape3A_668 {offsets = [9, 0, 0], sizes = [1, 256, 64], strides = [1, 1, 1]} : vector<16x256x64xf32> to vector<1x256x64xf32>
    %squeeze3A_696 = vector.shape_cast %slice3A_695 : vector<1x256x64xf32> to vector<256x64xf32>
    %add3A_697 = arith.addf %add3A_694, %squeeze3A_696 : vector<256x64xf32>
    %slice3A_698 = vector.extract_strided_slice %reshape3A_668 {offsets = [10, 0, 0], sizes = [1, 256, 64], strides = [1, 1, 1]} : vector<16x256x64xf32> to vector<1x256x64xf32>
    %squeeze3A_699 = vector.shape_cast %slice3A_698 : vector<1x256x64xf32> to vector<256x64xf32>
    %add3A_700 = arith.addf %add3A_697, %squeeze3A_699 : vector<256x64xf32>
    %slice3A_701 = vector.extract_strided_slice %reshape3A_668 {offsets = [11, 0, 0], sizes = [1, 256, 64], strides = [1, 1, 1]} : vector<16x256x64xf32> to vector<1x256x64xf32>
    %squeeze3A_702 = vector.shape_cast %slice3A_701 : vector<1x256x64xf32> to vector<256x64xf32>
    %add3A_703 = arith.addf %add3A_700, %squeeze3A_702 : vector<256x64xf32>
    %slice3A_704 = vector.extract_strided_slice %reshape3A_668 {offsets = [12, 0, 0], sizes = [1, 256, 64], strides = [1, 1, 1]} : vector<16x256x64xf32> to vector<1x256x64xf32>
    %squeeze3A_705 = vector.shape_cast %slice3A_704 : vector<1x256x64xf32> to vector<256x64xf32>
    %add3A_706 = arith.addf %add3A_703, %squeeze3A_705 : vector<256x64xf32>
    %slice3A_707 = vector.extract_strided_slice %reshape3A_668 {offsets = [13, 0, 0], sizes = [1, 256, 64], strides = [1, 1, 1]} : vector<16x256x64xf32> to vector<1x256x64xf32>
    %squeeze3A_708 = vector.shape_cast %slice3A_707 : vector<1x256x64xf32> to vector<256x64xf32>
    %add3A_709 = arith.addf %add3A_706, %squeeze3A_708 : vector<256x64xf32>
    %slice3A_710 = vector.extract_strided_slice %reshape3A_668 {offsets = [14, 0, 0], sizes = [1, 256, 64], strides = [1, 1, 1]} : vector<16x256x64xf32> to vector<1x256x64xf32>
    %squeeze3A_711 = vector.shape_cast %slice3A_710 : vector<1x256x64xf32> to vector<256x64xf32>
    %add3A_712 = arith.addf %add3A_709, %squeeze3A_711 : vector<256x64xf32>
    %slice3A_713 = vector.extract_strided_slice %reshape3A_668 {offsets = [15, 0, 0], sizes = [1, 256, 64], strides = [1, 1, 1]} : vector<16x256x64xf32> to vector<1x256x64xf32>
    %squeeze3A_714 = vector.shape_cast %slice3A_713 : vector<1x256x64xf32> to vector<256x64xf32>
    %add3A_715 = arith.addf %add3A_712, %squeeze3A_714 : vector<256x64xf32>
    %get3A_716 = arith.constant 8 : index
    %get3A_717 = arith.constant 0 : index
    %get3A_718 = arith.constant 0 : index
    %get3A_719 = vector.load %arg16[%get3A_716, %get3A_717, %get3A_718] : memref<16x64x64xf32, #tpu.memory_space<vmem>>, vector<1x64x64xf32>
    %get3A_720 = vector.shape_cast %get3A_719 : vector<1x64x64xf32> to vector<64x64xf32>
    %dot_general3A_721 = arith.constant dense<0.000000e+00> : vector<256x64xf32>
    %dot_general3A_722 = tpu.matmul %add3A_715, %get3A_720, %dot_general3A_721 {dimension_numbers = #tpu.dot_dimension_numbers<[1], [0], [0], [1], [0, 0, 1, 1], [], []>, transpose_lhs_hint = false} : vector<256x64xf32>, vector<64x64xf32>, vector<256x64xf32> -> vector<256x64xf32>
    %add3A_723 = arith.addf %add3A_664, %dot_general3A_722 : vector<256x64xf32>
    %slice3A_724 = vector.extract_strided_slice %select_n3A_194 {offsets = [0, 9], sizes = [4096, 1], strides = [1, 1]} : vector<4096x16xf32> to vector<4096x1xf32>
    %mul3A_725 = vector.broadcast %slice3A_724 : vector<4096x1xf32> to vector<4096x64xf32>
    %mul3A_726 = arith.mulf %concatenate3A, %mul3A_725 : vector<4096x64xf32>
    %reshape3A_727 = vector.shape_cast %mul3A_726 : vector<4096x64xf32> to vector<16x256x64xf32>
    %slice3A_728 = vector.extract_strided_slice %reshape3A_727 {offsets = [0, 0, 0], sizes = [1, 256, 64], strides = [1, 1, 1]} : vector<16x256x64xf32> to vector<1x256x64xf32>
    %squeeze3A_729 = vector.shape_cast %slice3A_728 : vector<1x256x64xf32> to vector<256x64xf32>
    %slice3A_730 = vector.extract_strided_slice %reshape3A_727 {offsets = [1, 0, 0], sizes = [1, 256, 64], strides = [1, 1, 1]} : vector<16x256x64xf32> to vector<1x256x64xf32>
    %squeeze3A_731 = vector.shape_cast %slice3A_730 : vector<1x256x64xf32> to vector<256x64xf32>
    %add3A_732 = arith.addf %squeeze3A_729, %squeeze3A_731 : vector<256x64xf32>
    %slice3A_733 = vector.extract_strided_slice %reshape3A_727 {offsets = [2, 0, 0], sizes = [1, 256, 64], strides = [1, 1, 1]} : vector<16x256x64xf32> to vector<1x256x64xf32>
    %squeeze3A_734 = vector.shape_cast %slice3A_733 : vector<1x256x64xf32> to vector<256x64xf32>
    %add3A_735 = arith.addf %add3A_732, %squeeze3A_734 : vector<256x64xf32>
    %slice3A_736 = vector.extract_strided_slice %reshape3A_727 {offsets = [3, 0, 0], sizes = [1, 256, 64], strides = [1, 1, 1]} : vector<16x256x64xf32> to vector<1x256x64xf32>
    %squeeze3A_737 = vector.shape_cast %slice3A_736 : vector<1x256x64xf32> to vector<256x64xf32>
    %add3A_738 = arith.addf %add3A_735, %squeeze3A_737 : vector<256x64xf32>
    %slice3A_739 = vector.extract_strided_slice %reshape3A_727 {offsets = [4, 0, 0], sizes = [1, 256, 64], strides = [1, 1, 1]} : vector<16x256x64xf32> to vector<1x256x64xf32>
    %squeeze3A_740 = vector.shape_cast %slice3A_739 : vector<1x256x64xf32> to vector<256x64xf32>
    %add3A_741 = arith.addf %add3A_738, %squeeze3A_740 : vector<256x64xf32>
    %slice3A_742 = vector.extract_strided_slice %reshape3A_727 {offsets = [5, 0, 0], sizes = [1, 256, 64], strides = [1, 1, 1]} : vector<16x256x64xf32> to vector<1x256x64xf32>
    %squeeze3A_743 = vector.shape_cast %slice3A_742 : vector<1x256x64xf32> to vector<256x64xf32>
    %add3A_744 = arith.addf %add3A_741, %squeeze3A_743 : vector<256x64xf32>
    %slice3A_745 = vector.extract_strided_slice %reshape3A_727 {offsets = [6, 0, 0], sizes = [1, 256, 64], strides = [1, 1, 1]} : vector<16x256x64xf32> to vector<1x256x64xf32>
    %squeeze3A_746 = vector.shape_cast %slice3A_745 : vector<1x256x64xf32> to vector<256x64xf32>
    %add3A_747 = arith.addf %add3A_744, %squeeze3A_746 : vector<256x64xf32>
    %slice3A_748 = vector.extract_strided_slice %reshape3A_727 {offsets = [7, 0, 0], sizes = [1, 256, 64], strides = [1, 1, 1]} : vector<16x256x64xf32> to vector<1x256x64xf32>
    %squeeze3A_749 = vector.shape_cast %slice3A_748 : vector<1x256x64xf32> to vector<256x64xf32>
    %add3A_750 = arith.addf %add3A_747, %squeeze3A_749 : vector<256x64xf32>
    %slice3A_751 = vector.extract_strided_slice %reshape3A_727 {offsets = [8, 0, 0], sizes = [1, 256, 64], strides = [1, 1, 1]} : vector<16x256x64xf32> to vector<1x256x64xf32>
    %squeeze3A_752 = vector.shape_cast %slice3A_751 : vector<1x256x64xf32> to vector<256x64xf32>
    %add3A_753 = arith.addf %add3A_750, %squeeze3A_752 : vector<256x64xf32>
    %slice3A_754 = vector.extract_strided_slice %reshape3A_727 {offsets = [9, 0, 0], sizes = [1, 256, 64], strides = [1, 1, 1]} : vector<16x256x64xf32> to vector<1x256x64xf32>
    %squeeze3A_755 = vector.shape_cast %slice3A_754 : vector<1x256x64xf32> to vector<256x64xf32>
    %add3A_756 = arith.addf %add3A_753, %squeeze3A_755 : vector<256x64xf32>
    %slice3A_757 = vector.extract_strided_slice %reshape3A_727 {offsets = [10, 0, 0], sizes = [1, 256, 64], strides = [1, 1, 1]} : vector<16x256x64xf32> to vector<1x256x64xf32>
    %squeeze3A_758 = vector.shape_cast %slice3A_757 : vector<1x256x64xf32> to vector<256x64xf32>
    %add3A_759 = arith.addf %add3A_756, %squeeze3A_758 : vector<256x64xf32>
    %slice3A_760 = vector.extract_strided_slice %reshape3A_727 {offsets = [11, 0, 0], sizes = [1, 256, 64], strides = [1, 1, 1]} : vector<16x256x64xf32> to vector<1x256x64xf32>
    %squeeze3A_761 = vector.shape_cast %slice3A_760 : vector<1x256x64xf32> to vector<256x64xf32>
    %add3A_762 = arith.addf %add3A_759, %squeeze3A_761 : vector<256x64xf32>
    %slice3A_763 = vector.extract_strided_slice %reshape3A_727 {offsets = [12, 0, 0], sizes = [1, 256, 64], strides = [1, 1, 1]} : vector<16x256x64xf32> to vector<1x256x64xf32>
    %squeeze3A_764 = vector.shape_cast %slice3A_763 : vector<1x256x64xf32> to vector<256x64xf32>
    %add3A_765 = arith.addf %add3A_762, %squeeze3A_764 : vector<256x64xf32>
    %slice3A_766 = vector.extract_strided_slice %reshape3A_727 {offsets = [13, 0, 0], sizes = [1, 256, 64], strides = [1, 1, 1]} : vector<16x256x64xf32> to vector<1x256x64xf32>
    %squeeze3A_767 = vector.shape_cast %slice3A_766 : vector<1x256x64xf32> to vector<256x64xf32>
    %add3A_768 = arith.addf %add3A_765, %squeeze3A_767 : vector<256x64xf32>
    %slice3A_769 = vector.extract_strided_slice %reshape3A_727 {offsets = [14, 0, 0], sizes = [1, 256, 64], strides = [1, 1, 1]} : vector<16x256x64xf32> to vector<1x256x64xf32>
    %squeeze3A_770 = vector.shape_cast %slice3A_769 : vector<1x256x64xf32> to vector<256x64xf32>
    %add3A_771 = arith.addf %add3A_768, %squeeze3A_770 : vector<256x64xf32>
    %slice3A_772 = vector.extract_strided_slice %reshape3A_727 {offsets = [15, 0, 0], sizes = [1, 256, 64], strides = [1, 1, 1]} : vector<16x256x64xf32> to vector<1x256x64xf32>
    %squeeze3A_773 = vector.shape_cast %slice3A_772 : vector<1x256x64xf32> to vector<256x64xf32>
    %add3A_774 = arith.addf %add3A_771, %squeeze3A_773 : vector<256x64xf32>
    %get3A_775 = arith.constant 9 : index
    %get3A_776 = arith.constant 0 : index
    %get3A_777 = arith.constant 0 : index
    %get3A_778 = vector.load %arg16[%get3A_775, %get3A_776, %get3A_777] : memref<16x64x64xf32, #tpu.memory_space<vmem>>, vector<1x64x64xf32>
    %get3A_779 = vector.shape_cast %get3A_778 : vector<1x64x64xf32> to vector<64x64xf32>
    %dot_general3A_780 = arith.constant dense<0.000000e+00> : vector<256x64xf32>
    %dot_general3A_781 = tpu.matmul %add3A_774, %get3A_779, %dot_general3A_780 {dimension_numbers = #tpu.dot_dimension_numbers<[1], [0], [0], [1], [0, 0, 1, 1], [], []>, transpose_lhs_hint = false} : vector<256x64xf32>, vector<64x64xf32>, vector<256x64xf32> -> vector<256x64xf32>
    %add3A_782 = arith.addf %add3A_723, %dot_general3A_781 : vector<256x64xf32>
    %slice3A_783 = vector.extract_strided_slice %select_n3A_194 {offsets = [0, 10], sizes = [4096, 1], strides = [1, 1]} : vector<4096x16xf32> to vector<4096x1xf32>
    %mul3A_784 = vector.broadcast %slice3A_783 : vector<4096x1xf32> to vector<4096x64xf32>
    %mul3A_785 = arith.mulf %concatenate3A, %mul3A_784 : vector<4096x64xf32>
    %reshape3A_786 = vector.shape_cast %mul3A_785 : vector<4096x64xf32> to vector<16x256x64xf32>
    %slice3A_787 = vector.extract_strided_slice %reshape3A_786 {offsets = [0, 0, 0], sizes = [1, 256, 64], strides = [1, 1, 1]} : vector<16x256x64xf32> to vector<1x256x64xf32>
    %squeeze3A_788 = vector.shape_cast %slice3A_787 : vector<1x256x64xf32> to vector<256x64xf32>
    %slice3A_789 = vector.extract_strided_slice %reshape3A_786 {offsets = [1, 0, 0], sizes = [1, 256, 64], strides = [1, 1, 1]} : vector<16x256x64xf32> to vector<1x256x64xf32>
    %squeeze3A_790 = vector.shape_cast %slice3A_789 : vector<1x256x64xf32> to vector<256x64xf32>
    %add3A_791 = arith.addf %squeeze3A_788, %squeeze3A_790 : vector<256x64xf32>
    %slice3A_792 = vector.extract_strided_slice %reshape3A_786 {offsets = [2, 0, 0], sizes = [1, 256, 64], strides = [1, 1, 1]} : vector<16x256x64xf32> to vector<1x256x64xf32>
    %squeeze3A_793 = vector.shape_cast %slice3A_792 : vector<1x256x64xf32> to vector<256x64xf32>
    %add3A_794 = arith.addf %add3A_791, %squeeze3A_793 : vector<256x64xf32>
    %slice3A_795 = vector.extract_strided_slice %reshape3A_786 {offsets = [3, 0, 0], sizes = [1, 256, 64], strides = [1, 1, 1]} : vector<16x256x64xf32> to vector<1x256x64xf32>
    %squeeze3A_796 = vector.shape_cast %slice3A_795 : vector<1x256x64xf32> to vector<256x64xf32>
    %add3A_797 = arith.addf %add3A_794, %squeeze3A_796 : vector<256x64xf32>
    %slice3A_798 = vector.extract_strided_slice %reshape3A_786 {offsets = [4, 0, 0], sizes = [1, 256, 64], strides = [1, 1, 1]} : vector<16x256x64xf32> to vector<1x256x64xf32>
    %squeeze3A_799 = vector.shape_cast %slice3A_798 : vector<1x256x64xf32> to vector<256x64xf32>
    %add3A_800 = arith.addf %add3A_797, %squeeze3A_799 : vector<256x64xf32>
    %slice3A_801 = vector.extract_strided_slice %reshape3A_786 {offsets = [5, 0, 0], sizes = [1, 256, 64], strides = [1, 1, 1]} : vector<16x256x64xf32> to vector<1x256x64xf32>
    %squeeze3A_802 = vector.shape_cast %slice3A_801 : vector<1x256x64xf32> to vector<256x64xf32>
    %add3A_803 = arith.addf %add3A_800, %squeeze3A_802 : vector<256x64xf32>
    %slice3A_804 = vector.extract_strided_slice %reshape3A_786 {offsets = [6, 0, 0], sizes = [1, 256, 64], strides = [1, 1, 1]} : vector<16x256x64xf32> to vector<1x256x64xf32>
    %squeeze3A_805 = vector.shape_cast %slice3A_804 : vector<1x256x64xf32> to vector<256x64xf32>
    %add3A_806 = arith.addf %add3A_803, %squeeze3A_805 : vector<256x64xf32>
    %slice3A_807 = vector.extract_strided_slice %reshape3A_786 {offsets = [7, 0, 0], sizes = [1, 256, 64], strides = [1, 1, 1]} : vector<16x256x64xf32> to vector<1x256x64xf32>
    %squeeze3A_808 = vector.shape_cast %slice3A_807 : vector<1x256x64xf32> to vector<256x64xf32>
    %add3A_809 = arith.addf %add3A_806, %squeeze3A_808 : vector<256x64xf32>
    %slice3A_810 = vector.extract_strided_slice %reshape3A_786 {offsets = [8, 0, 0], sizes = [1, 256, 64], strides = [1, 1, 1]} : vector<16x256x64xf32> to vector<1x256x64xf32>
    %squeeze3A_811 = vector.shape_cast %slice3A_810 : vector<1x256x64xf32> to vector<256x64xf32>
    %add3A_812 = arith.addf %add3A_809, %squeeze3A_811 : vector<256x64xf32>
    %slice3A_813 = vector.extract_strided_slice %reshape3A_786 {offsets = [9, 0, 0], sizes = [1, 256, 64], strides = [1, 1, 1]} : vector<16x256x64xf32> to vector<1x256x64xf32>
    %squeeze3A_814 = vector.shape_cast %slice3A_813 : vector<1x256x64xf32> to vector<256x64xf32>
    %add3A_815 = arith.addf %add3A_812, %squeeze3A_814 : vector<256x64xf32>
    %slice3A_816 = vector.extract_strided_slice %reshape3A_786 {offsets = [10, 0, 0], sizes = [1, 256, 64], strides = [1, 1, 1]} : vector<16x256x64xf32> to vector<1x256x64xf32>
    %squeeze3A_817 = vector.shape_cast %slice3A_816 : vector<1x256x64xf32> to vector<256x64xf32>
    %add3A_818 = arith.addf %add3A_815, %squeeze3A_817 : vector<256x64xf32>
    %slice3A_819 = vector.extract_strided_slice %reshape3A_786 {offsets = [11, 0, 0], sizes = [1, 256, 64], strides = [1, 1, 1]} : vector<16x256x64xf32> to vector<1x256x64xf32>
    %squeeze3A_820 = vector.shape_cast %slice3A_819 : vector<1x256x64xf32> to vector<256x64xf32>
    %add3A_821 = arith.addf %add3A_818, %squeeze3A_820 : vector<256x64xf32>
    %slice3A_822 = vector.extract_strided_slice %reshape3A_786 {offsets = [12, 0, 0], sizes = [1, 256, 64], strides = [1, 1, 1]} : vector<16x256x64xf32> to vector<1x256x64xf32>
    %squeeze3A_823 = vector.shape_cast %slice3A_822 : vector<1x256x64xf32> to vector<256x64xf32>
    %add3A_824 = arith.addf %add3A_821, %squeeze3A_823 : vector<256x64xf32>
    %slice3A_825 = vector.extract_strided_slice %reshape3A_786 {offsets = [13, 0, 0], sizes = [1, 256, 64], strides = [1, 1, 1]} : vector<16x256x64xf32> to vector<1x256x64xf32>
    %squeeze3A_826 = vector.shape_cast %slice3A_825 : vector<1x256x64xf32> to vector<256x64xf32>
    %add3A_827 = arith.addf %add3A_824, %squeeze3A_826 : vector<256x64xf32>
    %slice3A_828 = vector.extract_strided_slice %reshape3A_786 {offsets = [14, 0, 0], sizes = [1, 256, 64], strides = [1, 1, 1]} : vector<16x256x64xf32> to vector<1x256x64xf32>
    %squeeze3A_829 = vector.shape_cast %slice3A_828 : vector<1x256x64xf32> to vector<256x64xf32>
    %add3A_830 = arith.addf %add3A_827, %squeeze3A_829 : vector<256x64xf32>
    %slice3A_831 = vector.extract_strided_slice %reshape3A_786 {offsets = [15, 0, 0], sizes = [1, 256, 64], strides = [1, 1, 1]} : vector<16x256x64xf32> to vector<1x256x64xf32>
    %squeeze3A_832 = vector.shape_cast %slice3A_831 : vector<1x256x64xf32> to vector<256x64xf32>
    %add3A_833 = arith.addf %add3A_830, %squeeze3A_832 : vector<256x64xf32>
    %get3A_834 = arith.constant 10 : index
    %get3A_835 = arith.constant 0 : index
    %get3A_836 = arith.constant 0 : index
    %get3A_837 = vector.load %arg16[%get3A_834, %get3A_835, %get3A_836] : memref<16x64x64xf32, #tpu.memory_space<vmem>>, vector<1x64x64xf32>
    %get3A_838 = vector.shape_cast %get3A_837 : vector<1x64x64xf32> to vector<64x64xf32>
    %dot_general3A_839 = arith.constant dense<0.000000e+00> : vector<256x64xf32>
    %dot_general3A_840 = tpu.matmul %add3A_833, %get3A_838, %dot_general3A_839 {dimension_numbers = #tpu.dot_dimension_numbers<[1], [0], [0], [1], [0, 0, 1, 1], [], []>, transpose_lhs_hint = false} : vector<256x64xf32>, vector<64x64xf32>, vector<256x64xf32> -> vector<256x64xf32>
    %add3A_841 = arith.addf %add3A_782, %dot_general3A_840 : vector<256x64xf32>
    %slice3A_842 = vector.extract_strided_slice %select_n3A_194 {offsets = [0, 11], sizes = [4096, 1], strides = [1, 1]} : vector<4096x16xf32> to vector<4096x1xf32>
    %mul3A_843 = vector.broadcast %slice3A_842 : vector<4096x1xf32> to vector<4096x64xf32>
    %mul3A_844 = arith.mulf %concatenate3A, %mul3A_843 : vector<4096x64xf32>
    %reshape3A_845 = vector.shape_cast %mul3A_844 : vector<4096x64xf32> to vector<16x256x64xf32>
    %slice3A_846 = vector.extract_strided_slice %reshape3A_845 {offsets = [0, 0, 0], sizes = [1, 256, 64], strides = [1, 1, 1]} : vector<16x256x64xf32> to vector<1x256x64xf32>
    %squeeze3A_847 = vector.shape_cast %slice3A_846 : vector<1x256x64xf32> to vector<256x64xf32>
    %slice3A_848 = vector.extract_strided_slice %reshape3A_845 {offsets = [1, 0, 0], sizes = [1, 256, 64], strides = [1, 1, 1]} : vector<16x256x64xf32> to vector<1x256x64xf32>
    %squeeze3A_849 = vector.shape_cast %slice3A_848 : vector<1x256x64xf32> to vector<256x64xf32>
    %add3A_850 = arith.addf %squeeze3A_847, %squeeze3A_849 : vector<256x64xf32>
    %slice3A_851 = vector.extract_strided_slice %reshape3A_845 {offsets = [2, 0, 0], sizes = [1, 256, 64], strides = [1, 1, 1]} : vector<16x256x64xf32> to vector<1x256x64xf32>
    %squeeze3A_852 = vector.shape_cast %slice3A_851 : vector<1x256x64xf32> to vector<256x64xf32>
    %add3A_853 = arith.addf %add3A_850, %squeeze3A_852 : vector<256x64xf32>
    %slice3A_854 = vector.extract_strided_slice %reshape3A_845 {offsets = [3, 0, 0], sizes = [1, 256, 64], strides = [1, 1, 1]} : vector<16x256x64xf32> to vector<1x256x64xf32>
    %squeeze3A_855 = vector.shape_cast %slice3A_854 : vector<1x256x64xf32> to vector<256x64xf32>
    %add3A_856 = arith.addf %add3A_853, %squeeze3A_855 : vector<256x64xf32>
    %slice3A_857 = vector.extract_strided_slice %reshape3A_845 {offsets = [4, 0, 0], sizes = [1, 256, 64], strides = [1, 1, 1]} : vector<16x256x64xf32> to vector<1x256x64xf32>
    %squeeze3A_858 = vector.shape_cast %slice3A_857 : vector<1x256x64xf32> to vector<256x64xf32>
    %add3A_859 = arith.addf %add3A_856, %squeeze3A_858 : vector<256x64xf32>
    %slice3A_860 = vector.extract_strided_slice %reshape3A_845 {offsets = [5, 0, 0], sizes = [1, 256, 64], strides = [1, 1, 1]} : vector<16x256x64xf32> to vector<1x256x64xf32>
    %squeeze3A_861 = vector.shape_cast %slice3A_860 : vector<1x256x64xf32> to vector<256x64xf32>
    %add3A_862 = arith.addf %add3A_859, %squeeze3A_861 : vector<256x64xf32>
    %slice3A_863 = vector.extract_strided_slice %reshape3A_845 {offsets = [6, 0, 0], sizes = [1, 256, 64], strides = [1, 1, 1]} : vector<16x256x64xf32> to vector<1x256x64xf32>
    %squeeze3A_864 = vector.shape_cast %slice3A_863 : vector<1x256x64xf32> to vector<256x64xf32>
    %add3A_865 = arith.addf %add3A_862, %squeeze3A_864 : vector<256x64xf32>
    %slice3A_866 = vector.extract_strided_slice %reshape3A_845 {offsets = [7, 0, 0], sizes = [1, 256, 64], strides = [1, 1, 1]} : vector<16x256x64xf32> to vector<1x256x64xf32>
    %squeeze3A_867 = vector.shape_cast %slice3A_866 : vector<1x256x64xf32> to vector<256x64xf32>
    %add3A_868 = arith.addf %add3A_865, %squeeze3A_867 : vector<256x64xf32>
    %slice3A_869 = vector.extract_strided_slice %reshape3A_845 {offsets = [8, 0, 0], sizes = [1, 256, 64], strides = [1, 1, 1]} : vector<16x256x64xf32> to vector<1x256x64xf32>
    %squeeze3A_870 = vector.shape_cast %slice3A_869 : vector<1x256x64xf32> to vector<256x64xf32>
    %add3A_871 = arith.addf %add3A_868, %squeeze3A_870 : vector<256x64xf32>
    %slice3A_872 = vector.extract_strided_slice %reshape3A_845 {offsets = [9, 0, 0], sizes = [1, 256, 64], strides = [1, 1, 1]} : vector<16x256x64xf32> to vector<1x256x64xf32>
    %squeeze3A_873 = vector.shape_cast %slice3A_872 : vector<1x256x64xf32> to vector<256x64xf32>
    %add3A_874 = arith.addf %add3A_871, %squeeze3A_873 : vector<256x64xf32>
    %slice3A_875 = vector.extract_strided_slice %reshape3A_845 {offsets = [10, 0, 0], sizes = [1, 256, 64], strides = [1, 1, 1]} : vector<16x256x64xf32> to vector<1x256x64xf32>
    %squeeze3A_876 = vector.shape_cast %slice3A_875 : vector<1x256x64xf32> to vector<256x64xf32>
    %add3A_877 = arith.addf %add3A_874, %squeeze3A_876 : vector<256x64xf32>
    %slice3A_878 = vector.extract_strided_slice %reshape3A_845 {offsets = [11, 0, 0], sizes = [1, 256, 64], strides = [1, 1, 1]} : vector<16x256x64xf32> to vector<1x256x64xf32>
    %squeeze3A_879 = vector.shape_cast %slice3A_878 : vector<1x256x64xf32> to vector<256x64xf32>
    %add3A_880 = arith.addf %add3A_877, %squeeze3A_879 : vector<256x64xf32>
    %slice3A_881 = vector.extract_strided_slice %reshape3A_845 {offsets = [12, 0, 0], sizes = [1, 256, 64], strides = [1, 1, 1]} : vector<16x256x64xf32> to vector<1x256x64xf32>
    %squeeze3A_882 = vector.shape_cast %slice3A_881 : vector<1x256x64xf32> to vector<256x64xf32>
    %add3A_883 = arith.addf %add3A_880, %squeeze3A_882 : vector<256x64xf32>
    %slice3A_884 = vector.extract_strided_slice %reshape3A_845 {offsets = [13, 0, 0], sizes = [1, 256, 64], strides = [1, 1, 1]} : vector<16x256x64xf32> to vector<1x256x64xf32>
    %squeeze3A_885 = vector.shape_cast %slice3A_884 : vector<1x256x64xf32> to vector<256x64xf32>
    %add3A_886 = arith.addf %add3A_883, %squeeze3A_885 : vector<256x64xf32>
    %slice3A_887 = vector.extract_strided_slice %reshape3A_845 {offsets = [14, 0, 0], sizes = [1, 256, 64], strides = [1, 1, 1]} : vector<16x256x64xf32> to vector<1x256x64xf32>
    %squeeze3A_888 = vector.shape_cast %slice3A_887 : vector<1x256x64xf32> to vector<256x64xf32>
    %add3A_889 = arith.addf %add3A_886, %squeeze3A_888 : vector<256x64xf32>
    %slice3A_890 = vector.extract_strided_slice %reshape3A_845 {offsets = [15, 0, 0], sizes = [1, 256, 64], strides = [1, 1, 1]} : vector<16x256x64xf32> to vector<1x256x64xf32>
    %squeeze3A_891 = vector.shape_cast %slice3A_890 : vector<1x256x64xf32> to vector<256x64xf32>
    %add3A_892 = arith.addf %add3A_889, %squeeze3A_891 : vector<256x64xf32>
    %get3A_893 = arith.constant 11 : index
    %get3A_894 = arith.constant 0 : index
    %get3A_895 = arith.constant 0 : index
    %get3A_896 = vector.load %arg16[%get3A_893, %get3A_894, %get3A_895] : memref<16x64x64xf32, #tpu.memory_space<vmem>>, vector<1x64x64xf32>
    %get3A_897 = vector.shape_cast %get3A_896 : vector<1x64x64xf32> to vector<64x64xf32>
    %dot_general3A_898 = arith.constant dense<0.000000e+00> : vector<256x64xf32>
    %dot_general3A_899 = tpu.matmul %add3A_892, %get3A_897, %dot_general3A_898 {dimension_numbers = #tpu.dot_dimension_numbers<[1], [0], [0], [1], [0, 0, 1, 1], [], []>, transpose_lhs_hint = false} : vector<256x64xf32>, vector<64x64xf32>, vector<256x64xf32> -> vector<256x64xf32>
    %add3A_900 = arith.addf %add3A_841, %dot_general3A_899 : vector<256x64xf32>
    %slice3A_901 = vector.extract_strided_slice %select_n3A_194 {offsets = [0, 12], sizes = [4096, 1], strides = [1, 1]} : vector<4096x16xf32> to vector<4096x1xf32>
    %mul3A_902 = vector.broadcast %slice3A_901 : vector<4096x1xf32> to vector<4096x64xf32>
    %mul3A_903 = arith.mulf %concatenate3A, %mul3A_902 : vector<4096x64xf32>
    %reshape3A_904 = vector.shape_cast %mul3A_903 : vector<4096x64xf32> to vector<16x256x64xf32>
    %slice3A_905 = vector.extract_strided_slice %reshape3A_904 {offsets = [0, 0, 0], sizes = [1, 256, 64], strides = [1, 1, 1]} : vector<16x256x64xf32> to vector<1x256x64xf32>
    %squeeze3A_906 = vector.shape_cast %slice3A_905 : vector<1x256x64xf32> to vector<256x64xf32>
    %slice3A_907 = vector.extract_strided_slice %reshape3A_904 {offsets = [1, 0, 0], sizes = [1, 256, 64], strides = [1, 1, 1]} : vector<16x256x64xf32> to vector<1x256x64xf32>
    %squeeze3A_908 = vector.shape_cast %slice3A_907 : vector<1x256x64xf32> to vector<256x64xf32>
    %add3A_909 = arith.addf %squeeze3A_906, %squeeze3A_908 : vector<256x64xf32>
    %slice3A_910 = vector.extract_strided_slice %reshape3A_904 {offsets = [2, 0, 0], sizes = [1, 256, 64], strides = [1, 1, 1]} : vector<16x256x64xf32> to vector<1x256x64xf32>
    %squeeze3A_911 = vector.shape_cast %slice3A_910 : vector<1x256x64xf32> to vector<256x64xf32>
    %add3A_912 = arith.addf %add3A_909, %squeeze3A_911 : vector<256x64xf32>
    %slice3A_913 = vector.extract_strided_slice %reshape3A_904 {offsets = [3, 0, 0], sizes = [1, 256, 64], strides = [1, 1, 1]} : vector<16x256x64xf32> to vector<1x256x64xf32>
    %squeeze3A_914 = vector.shape_cast %slice3A_913 : vector<1x256x64xf32> to vector<256x64xf32>
    %add3A_915 = arith.addf %add3A_912, %squeeze3A_914 : vector<256x64xf32>
    %slice3A_916 = vector.extract_strided_slice %reshape3A_904 {offsets = [4, 0, 0], sizes = [1, 256, 64], strides = [1, 1, 1]} : vector<16x256x64xf32> to vector<1x256x64xf32>
    %squeeze3A_917 = vector.shape_cast %slice3A_916 : vector<1x256x64xf32> to vector<256x64xf32>
    %add3A_918 = arith.addf %add3A_915, %squeeze3A_917 : vector<256x64xf32>
    %slice3A_919 = vector.extract_strided_slice %reshape3A_904 {offsets = [5, 0, 0], sizes = [1, 256, 64], strides = [1, 1, 1]} : vector<16x256x64xf32> to vector<1x256x64xf32>
    %squeeze3A_920 = vector.shape_cast %slice3A_919 : vector<1x256x64xf32> to vector<256x64xf32>
    %add3A_921 = arith.addf %add3A_918, %squeeze3A_920 : vector<256x64xf32>
    %slice3A_922 = vector.extract_strided_slice %reshape3A_904 {offsets = [6, 0, 0], sizes = [1, 256, 64], strides = [1, 1, 1]} : vector<16x256x64xf32> to vector<1x256x64xf32>
    %squeeze3A_923 = vector.shape_cast %slice3A_922 : vector<1x256x64xf32> to vector<256x64xf32>
    %add3A_924 = arith.addf %add3A_921, %squeeze3A_923 : vector<256x64xf32>
    %slice3A_925 = vector.extract_strided_slice %reshape3A_904 {offsets = [7, 0, 0], sizes = [1, 256, 64], strides = [1, 1, 1]} : vector<16x256x64xf32> to vector<1x256x64xf32>
    %squeeze3A_926 = vector.shape_cast %slice3A_925 : vector<1x256x64xf32> to vector<256x64xf32>
    %add3A_927 = arith.addf %add3A_924, %squeeze3A_926 : vector<256x64xf32>
    %slice3A_928 = vector.extract_strided_slice %reshape3A_904 {offsets = [8, 0, 0], sizes = [1, 256, 64], strides = [1, 1, 1]} : vector<16x256x64xf32> to vector<1x256x64xf32>
    %squeeze3A_929 = vector.shape_cast %slice3A_928 : vector<1x256x64xf32> to vector<256x64xf32>
    %add3A_930 = arith.addf %add3A_927, %squeeze3A_929 : vector<256x64xf32>
    %slice3A_931 = vector.extract_strided_slice %reshape3A_904 {offsets = [9, 0, 0], sizes = [1, 256, 64], strides = [1, 1, 1]} : vector<16x256x64xf32> to vector<1x256x64xf32>
    %squeeze3A_932 = vector.shape_cast %slice3A_931 : vector<1x256x64xf32> to vector<256x64xf32>
    %add3A_933 = arith.addf %add3A_930, %squeeze3A_932 : vector<256x64xf32>
    %slice3A_934 = vector.extract_strided_slice %reshape3A_904 {offsets = [10, 0, 0], sizes = [1, 256, 64], strides = [1, 1, 1]} : vector<16x256x64xf32> to vector<1x256x64xf32>
    %squeeze3A_935 = vector.shape_cast %slice3A_934 : vector<1x256x64xf32> to vector<256x64xf32>
    %add3A_936 = arith.addf %add3A_933, %squeeze3A_935 : vector<256x64xf32>
    %slice3A_937 = vector.extract_strided_slice %reshape3A_904 {offsets = [11, 0, 0], sizes = [1, 256, 64], strides = [1, 1, 1]} : vector<16x256x64xf32> to vector<1x256x64xf32>
    %squeeze3A_938 = vector.shape_cast %slice3A_937 : vector<1x256x64xf32> to vector<256x64xf32>
    %add3A_939 = arith.addf %add3A_936, %squeeze3A_938 : vector<256x64xf32>
    %slice3A_940 = vector.extract_strided_slice %reshape3A_904 {offsets = [12, 0, 0], sizes = [1, 256, 64], strides = [1, 1, 1]} : vector<16x256x64xf32> to vector<1x256x64xf32>
    %squeeze3A_941 = vector.shape_cast %slice3A_940 : vector<1x256x64xf32> to vector<256x64xf32>
    %add3A_942 = arith.addf %add3A_939, %squeeze3A_941 : vector<256x64xf32>
    %slice3A_943 = vector.extract_strided_slice %reshape3A_904 {offsets = [13, 0, 0], sizes = [1, 256, 64], strides = [1, 1, 1]} : vector<16x256x64xf32> to vector<1x256x64xf32>
    %squeeze3A_944 = vector.shape_cast %slice3A_943 : vector<1x256x64xf32> to vector<256x64xf32>
    %add3A_945 = arith.addf %add3A_942, %squeeze3A_944 : vector<256x64xf32>
    %slice3A_946 = vector.extract_strided_slice %reshape3A_904 {offsets = [14, 0, 0], sizes = [1, 256, 64], strides = [1, 1, 1]} : vector<16x256x64xf32> to vector<1x256x64xf32>
    %squeeze3A_947 = vector.shape_cast %slice3A_946 : vector<1x256x64xf32> to vector<256x64xf32>
    %add3A_948 = arith.addf %add3A_945, %squeeze3A_947 : vector<256x64xf32>
    %slice3A_949 = vector.extract_strided_slice %reshape3A_904 {offsets = [15, 0, 0], sizes = [1, 256, 64], strides = [1, 1, 1]} : vector<16x256x64xf32> to vector<1x256x64xf32>
    %squeeze3A_950 = vector.shape_cast %slice3A_949 : vector<1x256x64xf32> to vector<256x64xf32>
    %add3A_951 = arith.addf %add3A_948, %squeeze3A_950 : vector<256x64xf32>
    %get3A_952 = arith.constant 12 : index
    %get3A_953 = arith.constant 0 : index
    %get3A_954 = arith.constant 0 : index
    %get3A_955 = vector.load %arg16[%get3A_952, %get3A_953, %get3A_954] : memref<16x64x64xf32, #tpu.memory_space<vmem>>, vector<1x64x64xf32>
    %get3A_956 = vector.shape_cast %get3A_955 : vector<1x64x64xf32> to vector<64x64xf32>
    %dot_general3A_957 = arith.constant dense<0.000000e+00> : vector<256x64xf32>
    %dot_general3A_958 = tpu.matmul %add3A_951, %get3A_956, %dot_general3A_957 {dimension_numbers = #tpu.dot_dimension_numbers<[1], [0], [0], [1], [0, 0, 1, 1], [], []>, transpose_lhs_hint = false} : vector<256x64xf32>, vector<64x64xf32>, vector<256x64xf32> -> vector<256x64xf32>
    %add3A_959 = arith.addf %add3A_900, %dot_general3A_958 : vector<256x64xf32>
    %slice3A_960 = vector.extract_strided_slice %select_n3A_194 {offsets = [0, 13], sizes = [4096, 1], strides = [1, 1]} : vector<4096x16xf32> to vector<4096x1xf32>
    %mul3A_961 = vector.broadcast %slice3A_960 : vector<4096x1xf32> to vector<4096x64xf32>
    %mul3A_962 = arith.mulf %concatenate3A, %mul3A_961 : vector<4096x64xf32>
    %reshape3A_963 = vector.shape_cast %mul3A_962 : vector<4096x64xf32> to vector<16x256x64xf32>
    %slice3A_964 = vector.extract_strided_slice %reshape3A_963 {offsets = [0, 0, 0], sizes = [1, 256, 64], strides = [1, 1, 1]} : vector<16x256x64xf32> to vector<1x256x64xf32>
    %squeeze3A_965 = vector.shape_cast %slice3A_964 : vector<1x256x64xf32> to vector<256x64xf32>
    %slice3A_966 = vector.extract_strided_slice %reshape3A_963 {offsets = [1, 0, 0], sizes = [1, 256, 64], strides = [1, 1, 1]} : vector<16x256x64xf32> to vector<1x256x64xf32>
    %squeeze3A_967 = vector.shape_cast %slice3A_966 : vector<1x256x64xf32> to vector<256x64xf32>
    %add3A_968 = arith.addf %squeeze3A_965, %squeeze3A_967 : vector<256x64xf32>
    %slice3A_969 = vector.extract_strided_slice %reshape3A_963 {offsets = [2, 0, 0], sizes = [1, 256, 64], strides = [1, 1, 1]} : vector<16x256x64xf32> to vector<1x256x64xf32>
    %squeeze3A_970 = vector.shape_cast %slice3A_969 : vector<1x256x64xf32> to vector<256x64xf32>
    %add3A_971 = arith.addf %add3A_968, %squeeze3A_970 : vector<256x64xf32>
    %slice3A_972 = vector.extract_strided_slice %reshape3A_963 {offsets = [3, 0, 0], sizes = [1, 256, 64], strides = [1, 1, 1]} : vector<16x256x64xf32> to vector<1x256x64xf32>
    %squeeze3A_973 = vector.shape_cast %slice3A_972 : vector<1x256x64xf32> to vector<256x64xf32>
    %add3A_974 = arith.addf %add3A_971, %squeeze3A_973 : vector<256x64xf32>
    %slice3A_975 = vector.extract_strided_slice %reshape3A_963 {offsets = [4, 0, 0], sizes = [1, 256, 64], strides = [1, 1, 1]} : vector<16x256x64xf32> to vector<1x256x64xf32>
    %squeeze3A_976 = vector.shape_cast %slice3A_975 : vector<1x256x64xf32> to vector<256x64xf32>
    %add3A_977 = arith.addf %add3A_974, %squeeze3A_976 : vector<256x64xf32>
    %slice3A_978 = vector.extract_strided_slice %reshape3A_963 {offsets = [5, 0, 0], sizes = [1, 256, 64], strides = [1, 1, 1]} : vector<16x256x64xf32> to vector<1x256x64xf32>
    %squeeze3A_979 = vector.shape_cast %slice3A_978 : vector<1x256x64xf32> to vector<256x64xf32>
    %add3A_980 = arith.addf %add3A_977, %squeeze3A_979 : vector<256x64xf32>
    %slice3A_981 = vector.extract_strided_slice %reshape3A_963 {offsets = [6, 0, 0], sizes = [1, 256, 64], strides = [1, 1, 1]} : vector<16x256x64xf32> to vector<1x256x64xf32>
    %squeeze3A_982 = vector.shape_cast %slice3A_981 : vector<1x256x64xf32> to vector<256x64xf32>
    %add3A_983 = arith.addf %add3A_980, %squeeze3A_982 : vector<256x64xf32>
    %slice3A_984 = vector.extract_strided_slice %reshape3A_963 {offsets = [7, 0, 0], sizes = [1, 256, 64], strides = [1, 1, 1]} : vector<16x256x64xf32> to vector<1x256x64xf32>
    %squeeze3A_985 = vector.shape_cast %slice3A_984 : vector<1x256x64xf32> to vector<256x64xf32>
    %add3A_986 = arith.addf %add3A_983, %squeeze3A_985 : vector<256x64xf32>
    %slice3A_987 = vector.extract_strided_slice %reshape3A_963 {offsets = [8, 0, 0], sizes = [1, 256, 64], strides = [1, 1, 1]} : vector<16x256x64xf32> to vector<1x256x64xf32>
    %squeeze3A_988 = vector.shape_cast %slice3A_987 : vector<1x256x64xf32> to vector<256x64xf32>
    %add3A_989 = arith.addf %add3A_986, %squeeze3A_988 : vector<256x64xf32>
    %slice3A_990 = vector.extract_strided_slice %reshape3A_963 {offsets = [9, 0, 0], sizes = [1, 256, 64], strides = [1, 1, 1]} : vector<16x256x64xf32> to vector<1x256x64xf32>
    %squeeze3A_991 = vector.shape_cast %slice3A_990 : vector<1x256x64xf32> to vector<256x64xf32>
    %add3A_992 = arith.addf %add3A_989, %squeeze3A_991 : vector<256x64xf32>
    %slice3A_993 = vector.extract_strided_slice %reshape3A_963 {offsets = [10, 0, 0], sizes = [1, 256, 64], strides = [1, 1, 1]} : vector<16x256x64xf32> to vector<1x256x64xf32>
    %squeeze3A_994 = vector.shape_cast %slice3A_993 : vector<1x256x64xf32> to vector<256x64xf32>
    %add3A_995 = arith.addf %add3A_992, %squeeze3A_994 : vector<256x64xf32>
    %slice3A_996 = vector.extract_strided_slice %reshape3A_963 {offsets = [11, 0, 0], sizes = [1, 256, 64], strides = [1, 1, 1]} : vector<16x256x64xf32> to vector<1x256x64xf32>
    %squeeze3A_997 = vector.shape_cast %slice3A_996 : vector<1x256x64xf32> to vector<256x64xf32>
    %add3A_998 = arith.addf %add3A_995, %squeeze3A_997 : vector<256x64xf32>
    %slice3A_999 = vector.extract_strided_slice %reshape3A_963 {offsets = [12, 0, 0], sizes = [1, 256, 64], strides = [1, 1, 1]} : vector<16x256x64xf32> to vector<1x256x64xf32>
    %squeeze3A_1000 = vector.shape_cast %slice3A_999 : vector<1x256x64xf32> to vector<256x64xf32>
    %add3A_1001 = arith.addf %add3A_998, %squeeze3A_1000 : vector<256x64xf32>
    %slice3A_1002 = vector.extract_strided_slice %reshape3A_963 {offsets = [13, 0, 0], sizes = [1, 256, 64], strides = [1, 1, 1]} : vector<16x256x64xf32> to vector<1x256x64xf32>
    %squeeze3A_1003 = vector.shape_cast %slice3A_1002 : vector<1x256x64xf32> to vector<256x64xf32>
    %add3A_1004 = arith.addf %add3A_1001, %squeeze3A_1003 : vector<256x64xf32>
    %slice3A_1005 = vector.extract_strided_slice %reshape3A_963 {offsets = [14, 0, 0], sizes = [1, 256, 64], strides = [1, 1, 1]} : vector<16x256x64xf32> to vector<1x256x64xf32>
    %squeeze3A_1006 = vector.shape_cast %slice3A_1005 : vector<1x256x64xf32> to vector<256x64xf32>
    %add3A_1007 = arith.addf %add3A_1004, %squeeze3A_1006 : vector<256x64xf32>
    %slice3A_1008 = vector.extract_strided_slice %reshape3A_963 {offsets = [15, 0, 0], sizes = [1, 256, 64], strides = [1, 1, 1]} : vector<16x256x64xf32> to vector<1x256x64xf32>
    %squeeze3A_1009 = vector.shape_cast %slice3A_1008 : vector<1x256x64xf32> to vector<256x64xf32>
    %add3A_1010 = arith.addf %add3A_1007, %squeeze3A_1009 : vector<256x64xf32>
    %get3A_1011 = arith.constant 13 : index
    %get3A_1012 = arith.constant 0 : index
    %get3A_1013 = arith.constant 0 : index
    %get3A_1014 = vector.load %arg16[%get3A_1011, %get3A_1012, %get3A_1013] : memref<16x64x64xf32, #tpu.memory_space<vmem>>, vector<1x64x64xf32>
    %get3A_1015 = vector.shape_cast %get3A_1014 : vector<1x64x64xf32> to vector<64x64xf32>
    %dot_general3A_1016 = arith.constant dense<0.000000e+00> : vector<256x64xf32>
    %dot_general3A_1017 = tpu.matmul %add3A_1010, %get3A_1015, %dot_general3A_1016 {dimension_numbers = #tpu.dot_dimension_numbers<[1], [0], [0], [1], [0, 0, 1, 1], [], []>, transpose_lhs_hint = false} : vector<256x64xf32>, vector<64x64xf32>, vector<256x64xf32> -> vector<256x64xf32>
    %add3A_1018 = arith.addf %add3A_959, %dot_general3A_1017 : vector<256x64xf32>
    %slice3A_1019 = vector.extract_strided_slice %select_n3A_194 {offsets = [0, 14], sizes = [4096, 1], strides = [1, 1]} : vector<4096x16xf32> to vector<4096x1xf32>
    %mul3A_1020 = vector.broadcast %slice3A_1019 : vector<4096x1xf32> to vector<4096x64xf32>
    %mul3A_1021 = arith.mulf %concatenate3A, %mul3A_1020 : vector<4096x64xf32>
    %reshape3A_1022 = vector.shape_cast %mul3A_1021 : vector<4096x64xf32> to vector<16x256x64xf32>
    %slice3A_1023 = vector.extract_strided_slice %reshape3A_1022 {offsets = [0, 0, 0], sizes = [1, 256, 64], strides = [1, 1, 1]} : vector<16x256x64xf32> to vector<1x256x64xf32>
    %squeeze3A_1024 = vector.shape_cast %slice3A_1023 : vector<1x256x64xf32> to vector<256x64xf32>
    %slice3A_1025 = vector.extract_strided_slice %reshape3A_1022 {offsets = [1, 0, 0], sizes = [1, 256, 64], strides = [1, 1, 1]} : vector<16x256x64xf32> to vector<1x256x64xf32>
    %squeeze3A_1026 = vector.shape_cast %slice3A_1025 : vector<1x256x64xf32> to vector<256x64xf32>
    %add3A_1027 = arith.addf %squeeze3A_1024, %squeeze3A_1026 : vector<256x64xf32>
    %slice3A_1028 = vector.extract_strided_slice %reshape3A_1022 {offsets = [2, 0, 0], sizes = [1, 256, 64], strides = [1, 1, 1]} : vector<16x256x64xf32> to vector<1x256x64xf32>
    %squeeze3A_1029 = vector.shape_cast %slice3A_1028 : vector<1x256x64xf32> to vector<256x64xf32>
    %add3A_1030 = arith.addf %add3A_1027, %squeeze3A_1029 : vector<256x64xf32>
    %slice3A_1031 = vector.extract_strided_slice %reshape3A_1022 {offsets = [3, 0, 0], sizes = [1, 256, 64], strides = [1, 1, 1]} : vector<16x256x64xf32> to vector<1x256x64xf32>
    %squeeze3A_1032 = vector.shape_cast %slice3A_1031 : vector<1x256x64xf32> to vector<256x64xf32>
    %add3A_1033 = arith.addf %add3A_1030, %squeeze3A_1032 : vector<256x64xf32>
    %slice3A_1034 = vector.extract_strided_slice %reshape3A_1022 {offsets = [4, 0, 0], sizes = [1, 256, 64], strides = [1, 1, 1]} : vector<16x256x64xf32> to vector<1x256x64xf32>
    %squeeze3A_1035 = vector.shape_cast %slice3A_1034 : vector<1x256x64xf32> to vector<256x64xf32>
    %add3A_1036 = arith.addf %add3A_1033, %squeeze3A_1035 : vector<256x64xf32>
    %slice3A_1037 = vector.extract_strided_slice %reshape3A_1022 {offsets = [5, 0, 0], sizes = [1, 256, 64], strides = [1, 1, 1]} : vector<16x256x64xf32> to vector<1x256x64xf32>
    %squeeze3A_1038 = vector.shape_cast %slice3A_1037 : vector<1x256x64xf32> to vector<256x64xf32>
    %add3A_1039 = arith.addf %add3A_1036, %squeeze3A_1038 : vector<256x64xf32>
    %slice3A_1040 = vector.extract_strided_slice %reshape3A_1022 {offsets = [6, 0, 0], sizes = [1, 256, 64], strides = [1, 1, 1]} : vector<16x256x64xf32> to vector<1x256x64xf32>
    %squeeze3A_1041 = vector.shape_cast %slice3A_1040 : vector<1x256x64xf32> to vector<256x64xf32>
    %add3A_1042 = arith.addf %add3A_1039, %squeeze3A_1041 : vector<256x64xf32>
    %slice3A_1043 = vector.extract_strided_slice %reshape3A_1022 {offsets = [7, 0, 0], sizes = [1, 256, 64], strides = [1, 1, 1]} : vector<16x256x64xf32> to vector<1x256x64xf32>
    %squeeze3A_1044 = vector.shape_cast %slice3A_1043 : vector<1x256x64xf32> to vector<256x64xf32>
    %add3A_1045 = arith.addf %add3A_1042, %squeeze3A_1044 : vector<256x64xf32>
    %slice3A_1046 = vector.extract_strided_slice %reshape3A_1022 {offsets = [8, 0, 0], sizes = [1, 256, 64], strides = [1, 1, 1]} : vector<16x256x64xf32> to vector<1x256x64xf32>
    %squeeze3A_1047 = vector.shape_cast %slice3A_1046 : vector<1x256x64xf32> to vector<256x64xf32>
    %add3A_1048 = arith.addf %add3A_1045, %squeeze3A_1047 : vector<256x64xf32>
    %slice3A_1049 = vector.extract_strided_slice %reshape3A_1022 {offsets = [9, 0, 0], sizes = [1, 256, 64], strides = [1, 1, 1]} : vector<16x256x64xf32> to vector<1x256x64xf32>
    %squeeze3A_1050 = vector.shape_cast %slice3A_1049 : vector<1x256x64xf32> to vector<256x64xf32>
    %add3A_1051 = arith.addf %add3A_1048, %squeeze3A_1050 : vector<256x64xf32>
    %slice3A_1052 = vector.extract_strided_slice %reshape3A_1022 {offsets = [10, 0, 0], sizes = [1, 256, 64], strides = [1, 1, 1]} : vector<16x256x64xf32> to vector<1x256x64xf32>
    %squeeze3A_1053 = vector.shape_cast %slice3A_1052 : vector<1x256x64xf32> to vector<256x64xf32>
    %add3A_1054 = arith.addf %add3A_1051, %squeeze3A_1053 : vector<256x64xf32>
    %slice3A_1055 = vector.extract_strided_slice %reshape3A_1022 {offsets = [11, 0, 0], sizes = [1, 256, 64], strides = [1, 1, 1]} : vector<16x256x64xf32> to vector<1x256x64xf32>
    %squeeze3A_1056 = vector.shape_cast %slice3A_1055 : vector<1x256x64xf32> to vector<256x64xf32>
    %add3A_1057 = arith.addf %add3A_1054, %squeeze3A_1056 : vector<256x64xf32>
    %slice3A_1058 = vector.extract_strided_slice %reshape3A_1022 {offsets = [12, 0, 0], sizes = [1, 256, 64], strides = [1, 1, 1]} : vector<16x256x64xf32> to vector<1x256x64xf32>
    %squeeze3A_1059 = vector.shape_cast %slice3A_1058 : vector<1x256x64xf32> to vector<256x64xf32>
    %add3A_1060 = arith.addf %add3A_1057, %squeeze3A_1059 : vector<256x64xf32>
    %slice3A_1061 = vector.extract_strided_slice %reshape3A_1022 {offsets = [13, 0, 0], sizes = [1, 256, 64], strides = [1, 1, 1]} : vector<16x256x64xf32> to vector<1x256x64xf32>
    %squeeze3A_1062 = vector.shape_cast %slice3A_1061 : vector<1x256x64xf32> to vector<256x64xf32>
    %add3A_1063 = arith.addf %add3A_1060, %squeeze3A_1062 : vector<256x64xf32>
    %slice3A_1064 = vector.extract_strided_slice %reshape3A_1022 {offsets = [14, 0, 0], sizes = [1, 256, 64], strides = [1, 1, 1]} : vector<16x256x64xf32> to vector<1x256x64xf32>
    %squeeze3A_1065 = vector.shape_cast %slice3A_1064 : vector<1x256x64xf32> to vector<256x64xf32>
    %add3A_1066 = arith.addf %add3A_1063, %squeeze3A_1065 : vector<256x64xf32>
    %slice3A_1067 = vector.extract_strided_slice %reshape3A_1022 {offsets = [15, 0, 0], sizes = [1, 256, 64], strides = [1, 1, 1]} : vector<16x256x64xf32> to vector<1x256x64xf32>
    %squeeze3A_1068 = vector.shape_cast %slice3A_1067 : vector<1x256x64xf32> to vector<256x64xf32>
    %add3A_1069 = arith.addf %add3A_1066, %squeeze3A_1068 : vector<256x64xf32>
    %get3A_1070 = arith.constant 14 : index
    %get3A_1071 = arith.constant 0 : index
    %get3A_1072 = arith.constant 0 : index
    %get3A_1073 = vector.load %arg16[%get3A_1070, %get3A_1071, %get3A_1072] : memref<16x64x64xf32, #tpu.memory_space<vmem>>, vector<1x64x64xf32>
    %get3A_1074 = vector.shape_cast %get3A_1073 : vector<1x64x64xf32> to vector<64x64xf32>
    %dot_general3A_1075 = arith.constant dense<0.000000e+00> : vector<256x64xf32>
    %dot_general3A_1076 = tpu.matmul %add3A_1069, %get3A_1074, %dot_general3A_1075 {dimension_numbers = #tpu.dot_dimension_numbers<[1], [0], [0], [1], [0, 0, 1, 1], [], []>, transpose_lhs_hint = false} : vector<256x64xf32>, vector<64x64xf32>, vector<256x64xf32> -> vector<256x64xf32>
    %add3A_1077 = arith.addf %add3A_1018, %dot_general3A_1076 : vector<256x64xf32>
    %slice3A_1078 = vector.extract_strided_slice %select_n3A_194 {offsets = [0, 15], sizes = [4096, 1], strides = [1, 1]} : vector<4096x16xf32> to vector<4096x1xf32>
    %mul3A_1079 = vector.broadcast %slice3A_1078 : vector<4096x1xf32> to vector<4096x64xf32>
    %mul3A_1080 = arith.mulf %concatenate3A, %mul3A_1079 : vector<4096x64xf32>
    %reshape3A_1081 = vector.shape_cast %mul3A_1080 : vector<4096x64xf32> to vector<16x256x64xf32>
    %slice3A_1082 = vector.extract_strided_slice %reshape3A_1081 {offsets = [0, 0, 0], sizes = [1, 256, 64], strides = [1, 1, 1]} : vector<16x256x64xf32> to vector<1x256x64xf32>
    %squeeze3A_1083 = vector.shape_cast %slice3A_1082 : vector<1x256x64xf32> to vector<256x64xf32>
    %slice3A_1084 = vector.extract_strided_slice %reshape3A_1081 {offsets = [1, 0, 0], sizes = [1, 256, 64], strides = [1, 1, 1]} : vector<16x256x64xf32> to vector<1x256x64xf32>
    %squeeze3A_1085 = vector.shape_cast %slice3A_1084 : vector<1x256x64xf32> to vector<256x64xf32>
    %add3A_1086 = arith.addf %squeeze3A_1083, %squeeze3A_1085 : vector<256x64xf32>
    %slice3A_1087 = vector.extract_strided_slice %reshape3A_1081 {offsets = [2, 0, 0], sizes = [1, 256, 64], strides = [1, 1, 1]} : vector<16x256x64xf32> to vector<1x256x64xf32>
    %squeeze3A_1088 = vector.shape_cast %slice3A_1087 : vector<1x256x64xf32> to vector<256x64xf32>
    %add3A_1089 = arith.addf %add3A_1086, %squeeze3A_1088 : vector<256x64xf32>
    %slice3A_1090 = vector.extract_strided_slice %reshape3A_1081 {offsets = [3, 0, 0], sizes = [1, 256, 64], strides = [1, 1, 1]} : vector<16x256x64xf32> to vector<1x256x64xf32>
    %squeeze3A_1091 = vector.shape_cast %slice3A_1090 : vector<1x256x64xf32> to vector<256x64xf32>
    %add3A_1092 = arith.addf %add3A_1089, %squeeze3A_1091 : vector<256x64xf32>
    %slice3A_1093 = vector.extract_strided_slice %reshape3A_1081 {offsets = [4, 0, 0], sizes = [1, 256, 64], strides = [1, 1, 1]} : vector<16x256x64xf32> to vector<1x256x64xf32>
    %squeeze3A_1094 = vector.shape_cast %slice3A_1093 : vector<1x256x64xf32> to vector<256x64xf32>
    %add3A_1095 = arith.addf %add3A_1092, %squeeze3A_1094 : vector<256x64xf32>
    %slice3A_1096 = vector.extract_strided_slice %reshape3A_1081 {offsets = [5, 0, 0], sizes = [1, 256, 64], strides = [1, 1, 1]} : vector<16x256x64xf32> to vector<1x256x64xf32>
    %squeeze3A_1097 = vector.shape_cast %slice3A_1096 : vector<1x256x64xf32> to vector<256x64xf32>
    %add3A_1098 = arith.addf %add3A_1095, %squeeze3A_1097 : vector<256x64xf32>
    %slice3A_1099 = vector.extract_strided_slice %reshape3A_1081 {offsets = [6, 0, 0], sizes = [1, 256, 64], strides = [1, 1, 1]} : vector<16x256x64xf32> to vector<1x256x64xf32>
    %squeeze3A_1100 = vector.shape_cast %slice3A_1099 : vector<1x256x64xf32> to vector<256x64xf32>
    %add3A_1101 = arith.addf %add3A_1098, %squeeze3A_1100 : vector<256x64xf32>
    %slice3A_1102 = vector.extract_strided_slice %reshape3A_1081 {offsets = [7, 0, 0], sizes = [1, 256, 64], strides = [1, 1, 1]} : vector<16x256x64xf32> to vector<1x256x64xf32>
    %squeeze3A_1103 = vector.shape_cast %slice3A_1102 : vector<1x256x64xf32> to vector<256x64xf32>
    %add3A_1104 = arith.addf %add3A_1101, %squeeze3A_1103 : vector<256x64xf32>
    %slice3A_1105 = vector.extract_strided_slice %reshape3A_1081 {offsets = [8, 0, 0], sizes = [1, 256, 64], strides = [1, 1, 1]} : vector<16x256x64xf32> to vector<1x256x64xf32>
    %squeeze3A_1106 = vector.shape_cast %slice3A_1105 : vector<1x256x64xf32> to vector<256x64xf32>
    %add3A_1107 = arith.addf %add3A_1104, %squeeze3A_1106 : vector<256x64xf32>
    %slice3A_1108 = vector.extract_strided_slice %reshape3A_1081 {offsets = [9, 0, 0], sizes = [1, 256, 64], strides = [1, 1, 1]} : vector<16x256x64xf32> to vector<1x256x64xf32>
    %squeeze3A_1109 = vector.shape_cast %slice3A_1108 : vector<1x256x64xf32> to vector<256x64xf32>
    %add3A_1110 = arith.addf %add3A_1107, %squeeze3A_1109 : vector<256x64xf32>
    %slice3A_1111 = vector.extract_strided_slice %reshape3A_1081 {offsets = [10, 0, 0], sizes = [1, 256, 64], strides = [1, 1, 1]} : vector<16x256x64xf32> to vector<1x256x64xf32>
    %squeeze3A_1112 = vector.shape_cast %slice3A_1111 : vector<1x256x64xf32> to vector<256x64xf32>
    %add3A_1113 = arith.addf %add3A_1110, %squeeze3A_1112 : vector<256x64xf32>
    %slice3A_1114 = vector.extract_strided_slice %reshape3A_1081 {offsets = [11, 0, 0], sizes = [1, 256, 64], strides = [1, 1, 1]} : vector<16x256x64xf32> to vector<1x256x64xf32>
    %squeeze3A_1115 = vector.shape_cast %slice3A_1114 : vector<1x256x64xf32> to vector<256x64xf32>
    %add3A_1116 = arith.addf %add3A_1113, %squeeze3A_1115 : vector<256x64xf32>
    %slice3A_1117 = vector.extract_strided_slice %reshape3A_1081 {offsets = [12, 0, 0], sizes = [1, 256, 64], strides = [1, 1, 1]} : vector<16x256x64xf32> to vector<1x256x64xf32>
    %squeeze3A_1118 = vector.shape_cast %slice3A_1117 : vector<1x256x64xf32> to vector<256x64xf32>
    %add3A_1119 = arith.addf %add3A_1116, %squeeze3A_1118 : vector<256x64xf32>
    %slice3A_1120 = vector.extract_strided_slice %reshape3A_1081 {offsets = [13, 0, 0], sizes = [1, 256, 64], strides = [1, 1, 1]} : vector<16x256x64xf32> to vector<1x256x64xf32>
    %squeeze3A_1121 = vector.shape_cast %slice3A_1120 : vector<1x256x64xf32> to vector<256x64xf32>
    %add3A_1122 = arith.addf %add3A_1119, %squeeze3A_1121 : vector<256x64xf32>
    %slice3A_1123 = vector.extract_strided_slice %reshape3A_1081 {offsets = [14, 0, 0], sizes = [1, 256, 64], strides = [1, 1, 1]} : vector<16x256x64xf32> to vector<1x256x64xf32>
    %squeeze3A_1124 = vector.shape_cast %slice3A_1123 : vector<1x256x64xf32> to vector<256x64xf32>
    %add3A_1125 = arith.addf %add3A_1122, %squeeze3A_1124 : vector<256x64xf32>
    %slice3A_1126 = vector.extract_strided_slice %reshape3A_1081 {offsets = [15, 0, 0], sizes = [1, 256, 64], strides = [1, 1, 1]} : vector<16x256x64xf32> to vector<1x256x64xf32>
    %squeeze3A_1127 = vector.shape_cast %slice3A_1126 : vector<1x256x64xf32> to vector<256x64xf32>
    %add3A_1128 = arith.addf %add3A_1125, %squeeze3A_1127 : vector<256x64xf32>
    %get3A_1129 = arith.constant 15 : index
    %get3A_1130 = arith.constant 0 : index
    %get3A_1131 = arith.constant 0 : index
    %get3A_1132 = vector.load %arg16[%get3A_1129, %get3A_1130, %get3A_1131] : memref<16x64x64xf32, #tpu.memory_space<vmem>>, vector<1x64x64xf32>
    %get3A_1133 = vector.shape_cast %get3A_1132 : vector<1x64x64xf32> to vector<64x64xf32>
    %dot_general3A_1134 = arith.constant dense<0.000000e+00> : vector<256x64xf32>
    %dot_general3A_1135 = tpu.matmul %add3A_1128, %get3A_1133, %dot_general3A_1134 {dimension_numbers = #tpu.dot_dimension_numbers<[1], [0], [0], [1], [0, 0, 1, 1], [], []>, transpose_lhs_hint = false} : vector<256x64xf32>, vector<64x64xf32>, vector<256x64xf32> -> vector<256x64xf32>
    %add3A_1136 = arith.addf %add3A_1077, %dot_general3A_1135 : vector<256x64xf32>
    %get3A_1137 = arith.constant 0 : index
    %get3A_1138 = arith.constant 0 : index
    %get3A_1139 = vector.load %arg17[%get3A_1137, %get3A_1138] : memref<1x64xf32, #tpu.memory_space<vmem>>, vector<1x64xf32>
    %add3A_1140 = vector.broadcast %get3A_1139 : vector<1x64xf32> to vector<256x64xf32>
    %add3A_1141 = arith.addf %add3A_1136, %add3A_1140 : vector<256x64xf32>
    %ge3A_1142 = arith.constant 0.000000e+00 : f32
    %ge3A_1143 = vector.broadcast %ge3A_1142 : f32 to vector<256x64xf32>
    %ge3A_1144 = arith.cmpf oge, %add3A_1141, %ge3A_1143 : vector<256x64xf32>
    %mul3A_1145 = arith.constant 1.000000e-01 : f32
    %mul3A_1146 = vector.broadcast %mul3A_1145 : f32 to vector<256x64xf32>
    %mul3A_1147 = arith.mulf %mul3A_1146, %add3A_1141 : vector<256x64xf32>
    %select_n3A_1148 = arith.select %ge3A_1144, %add3A_1141, %mul3A_1147 : vector<256x64xi1>, vector<256x64xf32>
    %get3A_1149 = arith.constant 0 : index
    %get3A_1150 = arith.constant 0 : index
    %get3A_1151 = vector.load %arg18[%get3A_1149, %get3A_1150] : memref<64x128xf32, #tpu.memory_space<vmem>>, vector<64x128xf32>
    %dot_general3A_1152 = arith.constant dense<0.000000e+00> : vector<256x128xf32>
    %dot_general3A_1153 = tpu.matmul %select_n3A_1148, %get3A_1151, %dot_general3A_1152 {dimension_numbers = #tpu.dot_dimension_numbers<[1], [0], [0], [1], [0, 0, 1, 1], [], []>, transpose_lhs_hint = false} : vector<256x64xf32>, vector<64x128xf32>, vector<256x128xf32> -> vector<256x128xf32>
    %get3A_1154 = arith.constant 0 : index
    %get3A_1155 = arith.constant 0 : index
    %get3A_1156 = vector.load %arg19[%get3A_1154, %get3A_1155] : memref<1x128xf32, #tpu.memory_space<vmem>>, vector<1x128xf32>
    %add3A_1157 = vector.broadcast %get3A_1156 : vector<1x128xf32> to vector<256x128xf32>
    %add3A_1158 = arith.addf %dot_general3A_1153, %add3A_1157 : vector<256x128xf32>
    %add3A_1159 = arith.addf %add3A_1158, %max3A_95 : vector<256x128xf32>
    %ge3A_1160 = arith.constant 0.000000e+00 : f32
    %ge3A_1161 = vector.broadcast %ge3A_1160 : f32 to vector<256x128xf32>
    %ge3A_1162 = arith.cmpf oge, %add3A_1159, %ge3A_1161 : vector<256x128xf32>
    %mul3A_1163 = arith.constant 1.000000e-01 : f32
    %mul3A_1164 = vector.broadcast %mul3A_1163 : f32 to vector<256x128xf32>
    %mul3A_1165 = arith.mulf %mul3A_1164, %add3A_1159 : vector<256x128xf32>
    %select_n3A_1166 = arith.select %ge3A_1162, %add3A_1159, %mul3A_1165 : vector<256x128xi1>, vector<256x128xf32>
    %swap3A_1167 = arith.constant 0 : index
    %swap3A_1168 = arith.constant 0 : index
    %swap3A_1169 = vector.load %arg20[%swap3A_1167, %swap3A_1168] : memref<256x128xf32, #tpu.memory_space<vmem>>, vector<256x128xf32>
    tpu.vector_store %arg20[%swap3A_1167, %swap3A_1168], %select_n3A_1166 {strides = array<i32>} : memref<256x128xf32, #tpu.memory_space<vmem>>, vector<256x128xf32>,
    return
  }
  func.func @transform_0(%arg0: i32) -> (i32, i32, i32) {
    %c0_i32 = arith.constant 0 : i32
    %c0_i32_0 = arith.constant 0 : i32
    %c0_i32_1 = arith.constant 0 : i32
    return %c0_i32, %arg0, %c0_i32_0 : i32, i32, i32
  }
  func.func @transform_1(%arg0: i32) -> (i32, i32, i32) {
    %c0_i32 = arith.constant 0 : i32
    %c0_i32_0 = arith.constant 0 : i32
    %c0_i32_1 = arith.constant 0 : i32
    return %c0_i32, %arg0, %c0_i32_0 : i32, i32, i32
  }
  func.func @transform_2(%arg0: i32) -> (i32, i32) {
    %c0_i32 = arith.constant 0 : i32
    %c0_i32_0 = arith.constant 0 : i32
    return %arg0, %c0_i32 : i32, i32
  }
  func.func @transform_3(%arg0: i32) -> (i32, i32) {
    %c0_i32 = arith.constant 0 : i32
    %c0_i32_0 = arith.constant 0 : i32
    %c0_i32_1 = arith.constant 0 : i32
    return %c0_i32, %c0_i32_0 : i32, i32
  }
  func.func @transform_4(%arg0: i32) -> (i32, i32) {
    %c0_i32 = arith.constant 0 : i32
    %c0_i32_0 = arith.constant 0 : i32
    %c0_i32_1 = arith.constant 0 : i32
    return %c0_i32, %c0_i32_0 : i32, i32
  }
  func.func @transform_5(%arg0: i32) -> (i32, i32) {
    %c0_i32 = arith.constant 0 : i32
    %c0_i32_0 = arith.constant 0 : i32
    %c0_i32_1 = arith.constant 0 : i32
    return %c0_i32, %c0_i32_0 : i32, i32
  }
  func.func @transform_6(%arg0: i32) -> (i32, i32) {
    %c0_i32 = arith.constant 0 : i32
    %c0_i32_0 = arith.constant 0 : i32
    %c0_i32_1 = arith.constant 0 : i32
    return %c0_i32, %c0_i32_0 : i32, i32
  }
  func.func @transform_7(%arg0: i32) -> (i32, i32) {
    %c0_i32 = arith.constant 0 : i32
    %c0_i32_0 = arith.constant 0 : i32
    %c0_i32_1 = arith.constant 0 : i32
    return %c0_i32, %c0_i32_0 : i32, i32
  }
  func.func @transform_8(%arg0: i32) -> (i32, i32) {
    %c0_i32 = arith.constant 0 : i32
    %c0_i32_0 = arith.constant 0 : i32
    %c0_i32_1 = arith.constant 0 : i32
    return %c0_i32, %c0_i32_0 : i32, i32
  }
  func.func @transform_9(%arg0: i32) -> (i32, i32) {
    %c0_i32 = arith.constant 0 : i32
    %c0_i32_0 = arith.constant 0 : i32
    %c0_i32_1 = arith.constant 0 : i32
    return %c0_i32, %c0_i32_0 : i32, i32
  }
  func.func @transform_10(%arg0: i32) -> (i32, i32) {
    %c0_i32 = arith.constant 0 : i32
    %c0_i32_0 = arith.constant 0 : i32
    %c0_i32_1 = arith.constant 0 : i32
    return %c0_i32, %c0_i32_0 : i32, i32
  }
  func.func @transform_11(%arg0: i32) -> (i32, i32) {
    %c0_i32 = arith.constant 0 : i32
    %c0_i32_0 = arith.constant 0 : i32
    %c0_i32_1 = arith.constant 0 : i32
    return %c0_i32, %c0_i32_0 : i32, i32
  }
  func.func @transform_12(%arg0: i32) -> (i32, i32) {
    %c0_i32 = arith.constant 0 : i32
    %c0_i32_0 = arith.constant 0 : i32
    %c0_i32_1 = arith.constant 0 : i32
    return %c0_i32, %c0_i32_0 : i32, i32
  }
  func.func @transform_13(%arg0: i32) -> (i32, i32) {
    %c0_i32 = arith.constant 0 : i32
    %c0_i32_0 = arith.constant 0 : i32
    %c0_i32_1 = arith.constant 0 : i32
    return %c0_i32, %c0_i32_0 : i32, i32
  }
  func.func @transform_14(%arg0: i32) -> (i32, i32) {
    %c0_i32 = arith.constant 0 : i32
    %c0_i32_0 = arith.constant 0 : i32
    %c0_i32_1 = arith.constant 0 : i32
    return %c0_i32, %c0_i32_0 : i32, i32
  }
  func.func @transform_15(%arg0: i32) -> (i32, i32, i32) {
    %c0_i32 = arith.constant 0 : i32
    %c0_i32_0 = arith.constant 0 : i32
    %c0_i32_1 = arith.constant 0 : i32
    %c0_i32_2 = arith.constant 0 : i32
    return %c0_i32, %c0_i32_0, %c0_i32_1 : i32, i32, i32
  }
  func.func @transform_16(%arg0: i32) -> (i32, i32) {
    %c0_i32 = arith.constant 0 : i32
    %c0_i32_0 = arith.constant 0 : i32
    %c0_i32_1 = arith.constant 0 : i32
    return %c0_i32, %c0_i32_0 : i32, i32
  }
  func.func @transform_17(%arg0: i32) -> (i32, i32) {
    %c0_i32 = arith.constant 0 : i32
    %c0_i32_0 = arith.constant 0 : i32
    %c0_i32_1 = arith.constant 0 : i32
    return %c0_i32, %c0_i32_0 : i32, i32
  }
  func.func @transform_18(%arg0: i32) -> (i32, i32) {
    %c0_i32 = arith.constant 0 : i32
    %c0_i32_0 = arith.constant 0 : i32
    %c0_i32_1 = arith.constant 0 : i32
    return %c0_i32, %c0_i32_0 : i32, i32
  }
  func.func @transform_19(%arg0: i32) -> (i32, i32) {
    %c0_i32 = arith.constant 0 : i32
    %c0_i32_0 = arith.constant 0 : i32
    return %arg0, %c0_i32 : i32, i32
  }
  func.func @transform_20(%arg0: i32) -> (i32, i32, i32) {
    %c0_i32 = arith.constant 0 : i32
    %c0_i32_0 = arith.constant 0 : i32
    %c0_i32_1 = arith.constant 0 : i32
    return %c0_i32, %arg0, %c0_i32_0 : i32, i32, i32
  }
}

</mosaic_0001>

<sc_bundles>
// kernel: kernel.4.cloned.1.call-start
scs
__scs_entry_jumppad:
0x0: {  	(pc) =	sbr.rel $0x88, $3  }
0x1: {  	(tag) =	ssettag $0x0;
	lr =	simm.s32 $0x1  }
0x2: {  	[smem:$0x3F8D] =	sst lr;
	_ =	strace $0xD0000000  }
0x3: {  	_ = 	snop  }
0x4: {  	_ = 	snop  }
0x5: {  	_ = 	snop  }
0x6: {  	_ = 	snop  }
0x7: {  	_ = 	snop  }
__scs_overlays_trampoline_lowered:
0x8: {  	[smem:$0x3F9C] =	sst s0  }
0x9: {  	[smem:$0x3F9D] =	sst s1  }
0xa: {  	[smem:$0x3F9E] =	sst s2  }
0xb: {  	[smem:$0x3F9F] =	sst s3  }
0xc: {  	[smem:$0x3FA0] =	sst s4  }
0xd: {  	[smem:$0x3FA1] =	sst s5  }
0xe: {  	[smem:$0x3FA2] =	sst s6  }
0xf: {  	[smem:$0x3FA3] =	sst s7  }
0x10: {  	[smem:$0x3FA4] =	sst s8  }
0x11: {  	[smem:$0x3FA5] =	sst s9;
	s0 =	simm.s32 @!p0 $0x0  }
0x12: {  	s1 =	sld [smem:$0x3F8B];
	s0 =	simm.s32 @p0 $0x1  }
0x13: {  	[smem:$0x3FA6] =	sst s0;
	s0 =	simm.s32 @!p1 $0x0  }
0x14: {  	s2 =	sld [smem:$0x3F8A];
	s0 =	simm.s32 @p1 $0x1  }
0x15: {  	[smem:$0x3FA7] =	sst s0;
	s0 =	simm.s32 @!p2 $0x0  }
0x16: {  	s3 =	sld [smem:$0x3FDB];
	s0 =	simm.s32 @p2 $0x1  }
0x17: {  	s4 =	simm.s32 $0x1BF5;
	[smem:$0x3FA9] =	sst s0  }
0x18: {  	s0 =	sld [smem:$0x3F8C];
	_ =	swait.ge [sflag:s4], $0x0  }
0x19: {  	s7 =	sld [smem:$0x3F8D]  }
0x1a: {  	s8 =	sadd.s32 $0xFFFFE003, lr  }
0x1b: {  	s9 =	sadd.s32 $0xFFFFFEF7, lr;
	s5 =	simm.s32 $0xFFFFFFFF;
	p2 =	slt.u32 s8, $0xFFFFF086  }
0x1c: {  	p1 =	slt.u32 s9, $0xF7A;
	s5 =	simm.s32 @!p2 $0x0  }
0x1d: {  	s5 =	simm.s32 @p1 $0x1;
	p0 =	seq.s32 s7, s2  }
0x1e: {  	s7 =	smul.u32 @!p0 $0xF7A, s2;
	p2 =	seq.s32 @!p0 s5, $0x0  }
0x1f: {  	s9 =	smul.u32 $0xF7A, s1;
	s8 =	simm.s32 @!p0 $0x1BF5;
	p2 =	por !p2, p0  }
0x20: {  	[sflag:s8] =	ssyncset.s32 @!p0 $0xFFFFF086;
	s6 =	sadd.s32 @!p0 s3, s7;
	s7 =	simm.s32 @!p0 $0x108  }
0x21: {  	s3 =	sadd.s32 s3, s9;
	s6 =	sadd.s32 @!p0 $0x88, s6;
	s7 =	simm.s32 @p2 $0x1082  }
0x22: {  	[simem:s7], [sflag:s8] =	dma.local @!p0 [hbm:s6], $0xF7A  }
0x23: {  	s9 =	sor.u32 $0xD0000000, s2;
	s6 =	simm.s32 $0x108;
	_ =	swait.ge @!p0 [sflag:s8], $0x0  }
0x24: {  	s3 =	sadd.s32 $0x88, s3;
	s6 =	simm.s32 @!p1 $0x1082;
	[sflag:s4] =	ssyncset.s32 $0xFFFFF086  }
0x25: {  	[simem:s6], [sflag:s4] =	dma.local [hbm:s3], $0xF7A  }
0x26: {  	[smem:$0x3F8D] =	sst s1;
	(tag) =	ssettag s2;
	_ =	strace s9  }
0x27: {  	s1 =	sld [smem:$0x3F9D]  }
0x28: {  	s2 =	sld [smem:$0x3F9E]  }
0x29: {  	s4 =	sld [smem:$0x3FA0]  }
0x2a: {  	p0 =	seq.s32 s5, $0x0;
	s5 =	sld [smem:$0x3FA1]  }
0x2b: {  	s6 =	sld [smem:$0x3FA2]  }
0x2c: {  	s7 =	sld [smem:$0x3FA3]  }
0x2d: {  	s3 =	simm.s32 $0x108;
	s8 =	sld [smem:$0x3FA4]  }
0x2e: {  	s3 =	simm.s32 @!p0 $0x1082;
	s9 =	sld [smem:$0x3FA5]  }
0x2f: {  	lr =	sadd.s32 s0, s3;
	s0 =	sld [smem:$0x3F9C]  }
0x30: {  	s3 =	sld [smem:$0x3F9F]  }
0x31: {  	[smem:$0x3FA8] =	sst s10  }
0x32: {  	s10 =	sld [smem:$0x3FA6];
	_ =	sdelay $0x3  }
0x33: {  	p0 =	seq.s32 s10, $0x1;
	s10 =	sld [smem:$0x3FA8];
	_ =	sdelay $0x3  }
0x34: {  	[smem:$0x3FA8] =	sst s10  }
0x35: {  	s10 =	sld [smem:$0x3FA7];
	_ =	sdelay $0x3  }
0x36: {  	p1 =	seq.s32 s10, $0x1;
	s10 =	sld [smem:$0x3FA8];
	_ =	sdelay $0x3  }
0x37: {  	[smem:$0x3FA8] =	sst s10  }
0x38: {  	s10 =	sld [smem:$0x3FA9]  }
0x39: {  	_ = 	snop;
	(pc) =	sbr.ind lr, $3  }
0x3a: {  	_ = 	snop  }
0x3b: {  	_ = 	snop  }
0x3c: {  	p2 =	seq.s32 s10, $0x1;
	s10 =	sld [smem:$0x3FA8]  }
0x3d: {  	_ =	shalt  }
0x3e: {  	_ =	shalt  }
0x3f: {  	_ =	shalt  }
0x40: {  	_ =	shalt  }
0x41: {  	_ =	shalt  }
0x42: {  	_ =	shalt  }
0x43: {  	_ =	shalt  }
0x44: {  	_ =	shalt  }
0x45: {  	_ =	shalt  }
0x46: {  	_ =	shalt  }
0x47: {  	_ =	shalt  }
0x48: {  	_ =	shalt  }
0x49: {  	_ =	shalt  }
0x4a: {  	_ =	shalt  }
0x4b: {  	_ =	shalt  }
0x4c: {  	_ =	shalt  }
0x4d: {  	_ =	shalt  }
0x4e: {  	_ =	shalt  }
0x4f: {  	_ =	shalt  }
0x50: {  	_ =	shalt  }
0x51: {  	_ =	shalt  }
0x52: {  	_ =	shalt  }
0x53: {  	_ =	shalt  }
0x54: {  	_ =	shalt  }
0x55: {  	_ =	shalt  }
0x56: {  	_ =	shalt  }
0x57: {  	_ =	shalt  }
0x58: {  	_ =	shalt  }
0x59: {  	_ =	shalt  }
0x5a: {  	_ =	shalt  }
0x5b: {  	_ =	shalt  }
0x5c: {  	_ =	shalt  }
0x5d: {  	_ =	shalt  }
0x5e: {  	_ =	shalt  }
0x5f: {  	_ =	shalt  }
0x60: {  	_ =	shalt  }
0x61: {  	_ =	shalt  }
0x62: {  	_ =	shalt  }
0x63: {  	_ =	shalt  }
0x64: {  	_ =	shalt  }
0x65: {  	_ =	shalt  }
0x66: {  	_ =	shalt  }
0x67: {  	_ =	shalt  }
0x68: {  	_ =	shalt  }
0x69: {  	_ =	shalt  }
0x6a: {  	_ =	shalt  }
0x6b: {  	_ =	shalt  }
0x6c: {  	_ =	shalt  }
0x6d: {  	_ =	shalt  }
0x6e: {  	_ =	shalt  }
0x6f: {  	_ =	shalt  }
0x70: {  	_ =	shalt  }
0x71: {  	_ =	shalt  }
0x72: {  	_ =	shalt  }
0x73: {  	_ =	shalt  }
0x74: {  	_ =	shalt  }
0x75: {  	_ =	shalt  }
0x76: {  	_ =	shalt  }
0x77: {  	_ =	shalt  }
0x78: {  	_ =	shalt  }
0x79: {  	_ =	shalt  }
0x7a: {  	_ =	shalt  }
0x7b: {  	_ =	shalt  }
0x7c: {  	_ =	shalt  }
0x7d: {  	_ =	shalt  }
0x7e: {  	_ =	shalt  }
0x7f: {  	_ =	shalt  }
0x80: {  	_ =	shalt  }
0x81: {  	_ =	shalt  }
0x82: {  	_ =	shalt  }
0x83: {  	_ =	shalt  }
0x84: {  	_ =	shalt  }
0x85: {  	_ =	shalt  }
0x86: {  	_ =	shalt  }
0x87: {  	_ =	shalt  }
.Lfunc_end0:
.L_simem_size_0:
called_computation_lowered:
.L_overlay_start_0:
0x88: {  	s2 =	sld [smem:$0x3FD9]  }
0x89: {  	s3 =	sld [smem:$0x3FFE];
	_ =	sdelay $0x1  }
0x8a: {  	s1 =	srdreg.scid  }
0x8b: {  	s0 =	sand.u32 $0x1, s1  }
0x8c: {  	s14 =	sshll.u32 s0, $0xA;
	s2 =	sadd.s32 s3, s2  }
0x8d: {  	s2 =	sadd.s32 s2, s14  }
0x8e: {  	[smem:$0x3FB4] =	sst s2  }
0x8f: {  	_ = 	snop  }
0x90: {  	s2 =	sld [smem:$0x3FD0];
	_ =	sdelay $0x2  }
0x91: {  	s4 =	simm.s32 $0xA;
	s5 =	simm.s32 $0x10;
	s15 =	sld [smem:$0x3FC8]  }
0x92: {  	[smem:s5], [sflag:s4] =	dma.local [hbm:s2], $0x1  }
0x93: {  	_ =	swait.eq [sflag:s4], $0x1  }
0x94: {  	[sflag:s4] =	ssyncset.done $0x0  }
0x95: {  	[sflag:s4] =	ssyncadd.s32 $0xFFFFFFFF  }
0x96: {  	s16 =	sld [smem:$0x11];
	(tm) =	ssettm $0x1  }
0x97: {  	s17 =	sld [smem:$0x3FFB];
	_ =	sdelay $0x3  }
0x98: {  	_ =	strace s17  }
0x99: {  	s4 =	sld [smem:$0x3FFC];
	_ =	sdelay $0x3  }
0x9a: {  	_ =	strace s4  }
0x9b: {  	s4 =	sld [smem:$0x3FFD];
	_ =	sdelay $0x3  }
0x9c: {  	_ =	strace s4  }
0x9d: {  	_ =	strace $0x8FFFFFFF  }
0x9e: {  	s18 =	sld [smem:$0x3FDB];
	_ =	sdelay $0x1  }
0x9f: {  	s19 =	simm.s32 $_scs_section_size  }
0xa0: {  	s6 =	simm.s32 $_size__tile_overlayer_lowered;
	s7 =	simm.s32 $_tile_overlayer_lowered  }
0xa1: {  	s22 =	simm.s32 $0x1BFF;
	s21 =	sshll.u32 s7, $0x1;
	s4 =	sadd.s32 s19, s18  }
0xa2: {  	s8 =	simm.s32 $0x0;
	s20 =	sshll.u32 s6, $0x1;
	s6 =	sadd.s32 s21, s4  }
0xa3: {  	[timem:s8], [sflag:s22] =	dma.local [hbm:s6], s20  }
0xa4: {  	_ =	swait.ge [sflag:s22], s20  }
0xa5: {  	s5 =	ssub.s32 $0x0, s20;
	[sflag:s22] =	ssyncset.done $0x0  }
0xa6: {  	[sflag:s22] =	ssyncadd.s32 s5;
	_ =	sdelay $0x1  }
0xa7: {  	s23 =	simm.s32 $0x1B8B  }
0xa8: {  	_ =	swait.ge [sflag:s23], $0x1  }
0xa9: {  	[sflag:s23] =	ssyncset.done $0x0  }
0xaa: {  	s25 =	simm.s32 $0x1B8E;
	s24 =	sld [smem:$0x3FFE];
	[sflag:s23] =	ssyncadd.s32 $0xFFFFFFFF  }
0xab: {  	s26 =	simm.s32 $execute0_lowered;
	[smem:$0x3FD2] =	sst s25  }
0xac: {  	s6 =	sshll.u32 s26, $0x1;
	_ =	strace $0x80000046;
	[dreg:$0x1] =	wrdreg $0xFFFFFFFF  }
0xad: {  	s28 =	simm.s32 $_size_execute0_lowered;
	s4 =	sadd.s32 s4, s6;
	[dreg:$0x0] =	wrdreg $0x0  }
0xae: {  	s6 =	sshll.u32 s28, $0x1;
	[dreg:$0x2] =	wrdreg s4  }
0xaf: {  	[dreg:$0x3] =	wrdreg s6  }
0xb0: {  	[dreg:$0x4] =	wrdreg $0xC0  }
0xb1: {  	_ =	task [dreg:s8], $0x5FFFF  }
0xb2: {  	[dreg:$0x1] =	wrdreg $0xFFFFFFFF  }
0xb3: {  	[dreg:$0x0] =	wrdreg $0x60  }
0xb4: {  	[dreg:$0x2] =	wrdreg s15  }
0xb5: {  	[dreg:$0x3] =	wrdreg s24  }
0xb6: {  	[dreg:$0x4] =	wrdreg s16  }
0xb7: {  	[dreg:$0x5] =	wrdreg $0x9  }
0xb8: {  	_ =	task.clear_ibuf [dreg:s8], $0x6FFFF;
	_ =	strace $0x90000046  }
0xb9: {  	s29 =	simm.s32 $0x9;
	_ =	strace $0x80000048  }
0xba: {  	_ =	swait.ge [sflag:s29], $0x1  }
0xbb: {  	[sflag:s29] =	ssyncadd.s32 $0xFFFFFFFF  }
0xbc: {  	_ =	strace $0x90000048  }
0xbd: {  	_ =	sfence  }
0xbe: {  	s30 =	sld [smem:$0x0];
	_ =	sdelay $0x2  }
0xbf: {  	s31 =	sshll.u32 s1, $0xD;
	s1 =	sshrl.u32 s1, $0x2  }
0xc0: {  	s3 =	sand.u32 $0x4000, s31;
	s1 =	sadd.s32 s1, s30  }
0xc1: {  	s0 =	sor.u32 s3, s0;
	s1 =	sshll.u32 s1, $0x11  }
0xc2: {  	s0 =	sor.u32 s1, s0  }
0xc3: {  	s0 =	sadd.s32 $0x8F2B, s0  }
0xc4: {  	[sflag:s0] =	ssyncadd.remote.s32 $0x1  }
0xc5: {  	_ =	sfence.sel $0xFFFF  }
0xc6: {  	[dreg:$0x0] =	wrdreg $0xFFFFFFFF;
	(pc) =	sbr.abs _section_cstart, $3  }
0xc7: {  	[dreg:$0x1] =	wrdreg $0xFFFFFFFF  }
0xc8: {  	_ =	task.clear_ibuf [dreg:s8], $0x2FFFF;
	_ =	strace $0x9FFFFFFF  }
0xc9: {  	(tm) =	ssettm $0x7FFFFFFF  }
tec
execute0_lowered:
.L_overlay_start_1:
0x0: {  	(tag) =	ssettag $0x1  }
0x1: {  	s1 =	rddreg [dreg:$0x0]  }
0x2: {  	s5 =	rddreg [dreg:$0x1];
	s0 =	stileid.u32  }
0x3: {  	s2 =	srdreg.scid;
	s9 =	rddreg [dreg:$0x2];
	s3 =	simm.s32 $0x0  }
0x4: {  	s12 =	simm.s32 $0x200;
	s13 =	simm.s32 $0xCA00;
	s14 =	simm.s32 $0x100  }
0x5: {  	s15 =	simm.s32 $0x6600;
	s16 =	simm.s32 $0x12E00;
	s17 =	simm.s32 $0x1  }
0x6: {  	s18 =	simm.s32 $0x2;
	s19 =	simm.s32 $0x0;
	s6 =	smul.u32 $0x64000, s0  }
0x7: {  	s4 =	sand.u32 $0x1, s2;
	s2 =	rddreg [dreg:$0x3];
	s8 =	smul.u32 $0x6400, s0  }
0x8: {  	[smem:$0x7FF] =	sst s3;
	s7 =	smul.u32 $0x32000, s4;
	s10 =	ssub.s32 $0x2, s4  }
0x9: {  	_ =	strace $0x80000047;
	s11 =	smul.u32 $0x3200, s4;
	s30 =	sshrl.u32 s10, $0x1  }
0xa: {  	s4 =	sadd.s32 $0x2C00, s5;
	s5 =	sadd.s32 s6, s5;
	s6 =	ssub.s32 s10, s30  }
0xb: {  	s7 =	sadd.s32 s7, s5;
	s8 =	sadd.s32 s11, s8;
	s11 =	simm.s32 $0xC8  }
0xc: {  	s5 =	smax.u32 s6, $0x1;
	s6 =	sadd.s32 $0xC6200, s7;
	s31 =	sor.u32 $0xC8, s8  }
0xd: {  	s7 =	sadd.s32 $0x706200, s7;
	s8 =	sshrl.u32 s8, $0x3;
	s10 =	sshrl.u32 s31, $0x3  }
0xe: {  	s8 =	sadd.s32 s8, s9;
	s9 =	sadd.s32 s10, s9;
	s10 =	simm.s32 $0x3  }
.LBB2_1:
0xf: {  	[tilespmem:s3], [sflag:$0x3] =	stream.linear.gather [hbm4b:s8+s3], $0xC8, $0x38;
	[tilespmem:$0x19200] =	vst v63  }
0x10: {  	_ =	swait.ge [sflag:s10], $0xC8  }
0x11: {  	[sflag:s10] =	ssyncset.done $0x0  }
0x12: {  	[sflag:s10] =	ssyncadd.s32 $0xFFFFFF38  }
0x13: {  	[tilespmem:s12], [sflag:$0x1] =	stream.indirect.gather [hbm4b:s1+s11], $0x80, s3, s11, $0xb8;
	[tilespmem:$0x19200] =	vst v63  }
0x14: {  	_ = 	snop  }
0x15: {  	[tilespmem:s13], [sflag:$0x2] =	stream.indirect.gather [hbm4b:s4+s11], $0x80, s3, s11, $0xb8;
	[tilespmem:$0x19200] =	vst v63  }
0x16: {  	_ = 	snop  }
0x17: {  	[tilespmem:s14], [sflag:$0x3] =	stream.linear.gather [hbm4b:s9+s3], $0xC8, $0x38;
	[tilespmem:$0x19200] =	vst v63  }
0x18: {  	_ =	swait.ge [sflag:s10], $0xC8  }
0x19: {  	[sflag:s10] =	ssyncset.done $0x0  }
0x1a: {  	[sflag:s10] =	ssyncadd.s32 $0xFFFFFF38  }
0x1b: {  	[tilespmem:s15], [sflag:$0x1] =	stream.indirect.gather [hbm4b:s1+s11], $0x80, s14, s11, $0xb8;
	[tilespmem:$0x19200] =	vst v63  }
0x1c: {  	_ = 	snop  }
0x1d: {  	[tilespmem:s16], [sflag:$0x2] =	stream.indirect.gather [hbm4b:s4+s11], $0x80, s14, s11, $0xb8;
	[tilespmem:$0x19200] =	vst v63  }
0x1e: {  	_ =	swait.ge [sflag:s17], $0x6400  }
0x1f: {  	[sflag:s17] =	ssyncset.done $0x0  }
0x20: {  	s20 =	sadd.s32 $0x0, s6;
	[sflag:s17] =	ssyncadd.s32 $0xFFFF9C00  }
0x21: {  	[hbm4b:s20+s3] =	stream.linear.scatter [tilespmem:s12], [sflag:$0x3], $0x6400, $0x38;
	[tilespmem:$0x19200] =	vst v63  }
0x22: {  	_ =	swait.ge [sflag:s10], $0x6400  }
0x23: {  	[sflag:s10] =	ssyncset.done $0x0  }
0x24: {  	[sflag:s10] =	ssyncadd.s32 $0xFFFF9C00  }
0x25: {  	_ =	swait.ge [sflag:s18], $0x6400  }
0x26: {  	[sflag:s18] =	ssyncset.done $0x0  }
0x27: {  	s21 =	sadd.s32 $0x0, s7;
	[sflag:s18] =	ssyncadd.s32 $0xFFFF9C00  }
0x28: {  	[hbm4b:s21+s3] =	stream.linear.scatter [tilespmem:s13], [sflag:$0x3], $0x6400, $0x38;
	[tilespmem:$0x19200] =	vst v63  }
0x29: {  	_ =	swait.ge [sflag:s10], $0x6400  }
0x2a: {  	[sflag:s10] =	ssyncset.done $0x0  }
0x2b: {  	[sflag:s10] =	ssyncadd.s32 $0xFFFF9C00  }
0x2c: {  	_ =	swait.ge [sflag:s17], $0x6400  }
0x2d: {  	[sflag:s17] =	ssyncset.done $0x0  }
0x2e: {  	s20 =	sadd.s32 $0xC80, s20;
	[sflag:s17] =	ssyncadd.s32 $0xFFFF9C00  }
0x2f: {  	[hbm4b:s20+s3] =	stream.linear.scatter [tilespmem:s15], [sflag:$0x3], $0x6400, $0x38;
	[tilespmem:$0x19200] =	vst v63  }
0x30: {  	_ =	swait.ge [sflag:s10], $0x6400  }
0x31: {  	[sflag:s10] =	ssyncset.done $0x0  }
0x32: {  	[sflag:s10] =	ssyncadd.s32 $0xFFFF9C00  }
0x33: {  	_ =	swait.ge [sflag:s18], $0x6400  }
0x34: {  	[sflag:s18] =	ssyncset.done $0x0  }
0x35: {  	s31 =	sadd.s32 $0xC80, s21;
	[sflag:s18] =	ssyncadd.s32 $0xFFFF9C00  }
0x36: {  	[hbm4b:s31+s3] =	stream.linear.scatter [tilespmem:s16], [sflag:$0x3], $0x6400, $0x38;
	[tilespmem:$0x19200] =	vst v63  }
0x37: {  	s22 =	smov.u32 s9;
	_ =	swait.ge [sflag:s10], $0x6400  }
0x38: {  	s21 =	smov.u32 s8;
	s20 =	simm.s32 $0x1900;
	[sflag:s10] =	ssyncset.done $0x0  }
.LBB2_2:
0x39: {  	[sflag:s10] =	ssyncadd.s32 $0xFFFF9C00  }
0x3a: {  	s21 =	sadd.s32 $0x32, s21;
	s22 =	sadd.s32 $0x32, s22;
	s23 =	smov.u32 s20  }
0x3b: {  	[tilespmem:s3], [sflag:$0x3] =	stream.linear.gather [hbm4b:s21+s3], $0xC8, $0x38;
	[tilespmem:$0x19200] =	vst v63  }
0x3c: {  	p0 =	sne.s32 s20, $0x30700;
	s20 =	sadd.s32 $0x1900, s20;
	_ =	swait.ge [sflag:s10], $0xC8  }
0x3d: {  	[sflag:s10] =	ssyncset.done $0x0  }
0x3e: {  	[sflag:s10] =	ssyncadd.s32 $0xFFFFFF38  }
0x3f: {  	[tilespmem:s12], [sflag:$0x1] =	stream.indirect.gather [hbm4b:s1+s11], $0x80, s3, s11, $0xb8;
	[tilespmem:$0x19200] =	vst v63  }
0x40: {  	_ = 	snop  }
0x41: {  	[tilespmem:s13], [sflag:$0x2] =	stream.indirect.gather [hbm4b:s4+s11], $0x80, s3, s11, $0xb8;
	[tilespmem:$0x19200] =	vst v63  }
0x42: {  	_ = 	snop  }
0x43: {  	[tilespmem:s14], [sflag:$0x3] =	stream.linear.gather [hbm4b:s22+s3], $0xC8, $0x38;
	[tilespmem:$0x19200] =	vst v63  }
0x44: {  	_ =	swait.ge [sflag:s10], $0xC8  }
0x45: {  	[sflag:s10] =	ssyncset.done $0x0  }
0x46: {  	[sflag:s10] =	ssyncadd.s32 $0xFFFFFF38  }
0x47: {  	[tilespmem:s15], [sflag:$0x1] =	stream.indirect.gather [hbm4b:s1+s11], $0x80, s14, s11, $0xb8;
	[tilespmem:$0x19200] =	vst v63  }
0x48: {  	_ = 	snop  }
0x49: {  	[tilespmem:s16], [sflag:$0x2] =	stream.indirect.gather [hbm4b:s4+s11], $0x80, s14, s11, $0xb8;
	[tilespmem:$0x19200] =	vst v63  }
0x4a: {  	_ =	swait.ge [sflag:s17], $0x6400  }
0x4b: {  	[sflag:s17] =	ssyncset.done $0x0  }
0x4c: {  	s24 =	sadd.s32 s23, s6;
	[sflag:s17] =	ssyncadd.s32 $0xFFFF9C00  }
0x4d: {  	[hbm4b:s24+s3] =	stream.linear.scatter [tilespmem:s12], [sflag:$0x3], $0x6400, $0x38;
	[tilespmem:$0x19200] =	vst v63  }
0x4e: {  	_ =	swait.ge [sflag:s10], $0x6400  }
0x4f: {  	[sflag:s10] =	ssyncset.done $0x0  }
0x50: {  	[sflag:s10] =	ssyncadd.s32 $0xFFFF9C00  }
0x51: {  	_ =	swait.ge [sflag:s18], $0x6400  }
0x52: {  	[sflag:s18] =	ssyncset.done $0x0  }
0x53: {  	s23 =	sadd.s32 s23, s7;
	[sflag:s18] =	ssyncadd.s32 $0xFFFF9C00  }
0x54: {  	[hbm4b:s23+s3] =	stream.linear.scatter [tilespmem:s13], [sflag:$0x3], $0x6400, $0x38;
	[tilespmem:$0x19200] =	vst v63  }
0x55: {  	_ =	swait.ge [sflag:s10], $0x6400  }
0x56: {  	[sflag:s10] =	ssyncset.done $0x0  }
0x57: {  	[sflag:s10] =	ssyncadd.s32 $0xFFFF9C00  }
0x58: {  	_ =	swait.ge [sflag:s17], $0x6400  }
0x59: {  	[sflag:s17] =	ssyncset.done $0x0  }
0x5a: {  	s24 =	sadd.s32 $0xC80, s24;
	[sflag:s17] =	ssyncadd.s32 $0xFFFF9C00  }
0x5b: {  	[hbm4b:s24+s3] =	stream.linear.scatter [tilespmem:s15], [sflag:$0x3], $0x6400, $0x38;
	[tilespmem:$0x19200] =	vst v63  }
0x5c: {  	_ =	swait.ge [sflag:s10], $0x6400  }
0x5d: {  	[sflag:s10] =	ssyncset.done $0x0  }
0x5e: {  	[sflag:s10] =	ssyncadd.s32 $0xFFFF9C00  }
0x5f: {  	_ =	swait.ge [sflag:s18], $0x6400  }
.Ltmp0:
0x60: {  	[sflag:s18] =	ssyncset.done $0x0;
	(pc) =	sbr.rel @p0 .LBB2_2-.Ltmp0, $4  }
0x61: {  	s23 =	sadd.s32 $0xC80, s23;
	[sflag:s18] =	ssyncadd.s32 $0xFFFF9C00  }
0x62: {  	[hbm4b:s23+s3] =	stream.linear.scatter [tilespmem:s16], [sflag:$0x3], $0x6400, $0x38;
	[tilespmem:$0x19200] =	vst v63  }
0x63: {  	_ =	swait.ge [sflag:s10], $0x6400  }
0x64: {  	[sflag:s10] =	ssyncset.done $0x0  }
0x65: {  	s19 =	sadd.s32 $0x1, s19  }
0x66: {  	p0 =	sne.s32 s19, s5  }
.Ltmp1:
0x67: {  	_ = 	snop;
	(pc) =	sbr.rel @p0 .LBB2_1-.Ltmp1, $2  }
0x68: {  	_ =	sdelay $0x2  }
0x69: {  	[sflag:s10] =	ssyncadd.s32 $0xFFFF9C00  }
0x6a: {  	_ =	sfence.sel $0x180000  }
0x6b: {  	[bflag:$0x0] =	sbarrier.arrive $0xFFFF  }
0x6c: {  	p0 =	sne.s32 s0, $0x0;
	_ =	strace $0x90000047  }
0x6d: {  	s0 =	sadd.s32 @!p0 $0x100000, s2;
	[bflag:$0x2] =	sbarrier.arrive $0xFFFF  }
0x6e: {  	[sflag:s0] =	ssyncadd.tile.s32 @!p0 $0x1;
	_ =	shalt  }
.Lfunc_end2:
_tile_overlayer_lowered:
.L_overlay_start_2:
0x6f: {  	(tag) =	ssettag $0x2  }
0x70: {  	s0 =	rddreg [dreg:$0x0];
	s2 =	stileid.u32  }
0x71: {  	s1 =	rddreg [dreg:$0x1];
	p0 =	sne.s32 s2, $0x0  }
0x72: {  	s3 =	rddreg [dreg:$0x2];
	[bflag:$0x3] =	sbarrier.arrive $0xFFFF;
	s2 =	simm.s32 @!p0 $0x1C03  }
0x73: {  	[timem:s3], [sflag:s2] =	dma.local @!p0 [hbm:s0], s1  }
0x74: {  	s0 =	simm.s32 @!p0 $0x3  }
0x75: {  	_ =	swait.ge @!p0 [sflag:s0], s1  }
0x76: {  	s1 =	ssub.s32 @!p0 $0x0, s1;
	[sflag:s0] =	ssyncset.done @!p0 $0x0  }
0x77: {  	[sflag:s0] =	ssyncadd.s32 @!p0 s1  }
0x78: {  	[bflag:$0x3] =	sbarrier.arrive $0xFFFF  }
0x79: {  	_ =	shalt  }

</sc_bundles>
